<compile_context>
chip_gen: v7x
topology: tpu7x:2x2x1
jax: 0.10.2.dev20260603
libtpu: 0.0.44.dev20260713+nightly
codegen_flags: <defaults>
</compile_context>

<pallas_src>
import functools

import jax
import jax.numpy as jnp
from jax import lax
from jax.experimental import pallas as pl
from jax.experimental.pallas import tpu as pltpu
from jax.experimental.pallas import tpu_sc as plsc

NC, NS = 2, 16
NW = NC * NS
N = 2048
F = 32
FW = 128
E = 65536
EPT = E // NW
ROWS = EPT // 128
G = 16
DF = N // G * F
NPER = N // NS

_MESH = dict(core_axis_name="c", subcore_axis_name="s")


@functools.partial(
    pl.kernel,
    mesh=plsc.VectorSubcoreMesh(**_MESH),
    out_type=jax.ShapeDtypeStruct((NW, N), jnp.float32),
    scratch_types=[
        pltpu.VMEM((EPT,), jnp.int32),
        pltpu.VMEM((N,), jnp.float32),
    ],
    compiler_params=pltpu.CompilerParams(needs_layout_passes=False),
)
def _deg_sc(dst_hbm, out_hbm, dst_v, deg_v):
    cid = lax.axis_index("c")
    sid = lax.axis_index("s")
    wid = cid * NS + sid
    pltpu.sync_copy(dst_hbm.at[pl.ds(wid * EPT, EPT)], dst_v)

    def zero(k, c):
        deg_v[pl.ds(k * 16, 16)] = jnp.zeros((16,), jnp.float32)
        return c

    lax.fori_loop(0, N // 16, zero, 0)
    ones = jnp.ones((16,), jnp.float32)

    def accum(k, c):
        idx = dst_v[pl.ds(k * 16, 16)]
        plsc.addupdate_scatter(deg_v, [idx], ones)
        return c

    lax.fori_loop(0, EPT // 16, accum, 0)
    pltpu.sync_copy(deg_v, out_hbm.at[wid])


@functools.partial(
    pl.kernel,
    mesh=plsc.VectorSubcoreMesh(**_MESH),
    out_type=jax.ShapeDtypeStruct((NC, N, FW), jnp.float32),
    scratch_types=[
        pltpu.VMEM((ROWS, 128), jnp.int32),
        pltpu.VMEM((ROWS, 128), jnp.int32),
        pltpu.VMEM((6, 128, FW), jnp.float32),
        pltpu.VMEM_SHARED((N, FW), jnp.float32),
        [pltpu.SemaphoreType.DMA] * 6,
        [pltpu.SemaphoreType.DMA] * 6,
    ],
    compiler_params=pltpu.CompilerParams(needs_layout_passes=False),
)
def _gs_sc(src_hbm, dst_hbm, y_hbm, zeros_hbm, out_hbm,
           src_v, dst_v, rows_v, acc_sh, gsems, ssems):
    NBUF = 6
    LOOK = 3
    cid = lax.axis_index("c")
    sid = lax.axis_index("s")
    wid = cid * NS + sid
    pltpu.sync_copy(src_hbm.at[pl.ds(wid * ROWS, ROWS)], src_v)
    pltpu.sync_copy(dst_hbm.at[pl.ds(wid * ROWS, ROWS)], dst_v)
    pltpu.sync_copy(zeros_hbm.at[pl.ds(sid * NPER, NPER)],
                    acc_sh.at[pl.ds(sid * NPER, NPER)])
    gcp = [None] * ROWS
    scp = [None] * ROWS
    for g in range(LOOK):
        gcp[g] = pltpu.async_copy(y_hbm.at[src_v.at[g]], rows_v.at[g],
                                  gsems[g])
    plsc.subcore_barrier()
    for j in range(ROWS):
        g = j + LOOK
        if g < ROWS:
            bg = g % NBUF
            if g - NBUF >= 0:
                scp[g - NBUF].wait()
            gcp[g] = pltpu.async_copy(y_hbm.at[src_v.at[g]], rows_v.at[bg],
                                      gsems[bg])
        gcp[j].wait()
        b = j % NBUF
        scp[j] = pltpu.async_copy(rows_v.at[b], acc_sh.at[dst_v.at[j]],
                                  ssems[b], add=True)
    for j in range(ROWS - NBUF, ROWS):
        scp[j].wait()
    plsc.subcore_barrier()
    pltpu.sync_copy(acc_sh.at[pl.ds(sid * NPER, NPER)],
                    out_hbm.at[cid, pl.ds(sid * NPER, NPER)])


def _prep_tc(degparts, x, conv_W, ones_w):
    def body(d_ref, x_ref, w_ref, o_ref, y_ref, dinv_ref):
        deg = lax.dot_general(d_ref[...], o_ref[...], (((0,), (0,)), ((), ())),
                              preferred_element_type=jnp.float32,
                              precision=lax.Precision.HIGHEST) + 1.0
        dinv = lax.rsqrt(deg)
        xw = lax.dot_general(x_ref[...], w_ref[...], (((1,), (1,)), ((), ())),
                             preferred_element_type=jnp.float32,
                             precision=lax.Precision.HIGHEST)
        y_ref[:, 0:F] = xw * dinv
        y_ref[:, F:FW] = jnp.zeros((N, FW - F), jnp.float32)
        dinv_ref[...] = dinv

    return pl.pallas_call(
        body,
        out_shape=(jax.ShapeDtypeStruct((N, FW), jnp.float32),
                   jax.ShapeDtypeStruct((N, 1), jnp.float32)),
    )(degparts, x, conv_W, ones_w)


def _node_tc(s2, y, dinv, conv_b):
    def body(s_ref, y_ref, di_ref, b_ref, h_ref):
        s = s_ref[0, :, 0:F] + s_ref[1, :, 0:F] + y_ref[:, 0:F]
        h_ref[...] = jnp.maximum(s * di_ref[...] + b_ref[...], 0.0)

    return pl.pallas_call(
        body,
        out_shape=jax.ShapeDtypeStruct((N, F), jnp.float32),
    )(s2, y, dinv, conv_b)


def _head_tc(h, W1, b1, W2, b2):
    JB = 512
    steps = DF // JB

    def body(h_ref, w1_ref, b1_ref, w2_ref, b2_ref, o_ref):
        j = pl.program_id(0)
        h2 = jnp.maximum(
            lax.dot_general(h_ref[...], w1_ref[...], (((1,), (1,)), ((), ())),
                            preferred_element_type=jnp.float32) + b1_ref[...],
            0.0)
        part = lax.dot_general(h2, w2_ref[...], (((1,), (1,)), ((), ())),
                               preferred_element_type=jnp.float32)

        @pl.when(j == 0)
        def _():
            o_ref[...] = part + b2_ref[...]

        @pl.when(j > 0)
        def _():
            o_ref[...] = o_ref[...] + part

        @pl.when(j == steps - 1)
        def _():
            logits = o_ref[...]
            m = jnp.max(logits, axis=-1, keepdims=True)
            e = jnp.exp(logits - m)
            o_ref[...] = e / jnp.sum(e, axis=-1, keepdims=True)

    return pl.pallas_call(
        body,
        grid=(steps,),
        in_specs=[
            pl.BlockSpec((G, DF), lambda j: (0, 0)),
            pl.BlockSpec((JB, DF), lambda j: (j, 0)),
            pl.BlockSpec((1, JB), lambda j: (0, j)),
            pl.BlockSpec((10, JB), lambda j: (0, j)),
            pl.BlockSpec((1, 10), lambda j: (0, 0)),
        ],
        out_specs=pl.BlockSpec((G, 10), lambda j: (0, 0)),
        out_shape=jax.ShapeDtypeStruct((G, 10), jnp.float32),
    )(h, W1, b1, W2, b2)


def kernel(x, edge_index, batch, conv_W, conv_b,
           lin1_W, lin1_b, lin2_W, lin2_b):
    er = edge_index.reshape(2, E // 128, 128)
    src_r, dst_r = er[0], er[1]
    dst_flat = edge_index[1]
    ones_w = jnp.ones((NW, 1), jnp.float32)
    zeros_fw = jnp.zeros((N, FW), jnp.float32)

    degparts = _deg_sc(dst_flat)
    y, dinv = _prep_tc(degparts, x, conv_W, ones_w)
    s2 = _gs_sc(src_r, dst_r, y, zeros_fw)
    h = _node_tc(s2, y, dinv, conv_b.reshape(1, F))
    return _head_tc(h.reshape(G, DF), lin1_W, lin1_b.reshape(1, DF),
                    lin2_W, lin2_b.reshape(1, 10))

# --- scband reference (transcript-rebuilt; emitter-appended) ---
"""Pipeline reference for scband-gnn-64295660421514 (READ-ONLY COPY).

The authoritative reference and input builder live on the scoring server;
editing this copy changes nothing except your own understanding.
"""

import jax, jax.numpy as jnp
import numpy as np

NUM_NODES = 128
EMBED_DIM = 32
OUTPUT_SIZE = 10
N_TOTAL = 2048
N_EDGES = 65536
B_GRAPHS = 16
D_FLAT = NUM_NODES * EMBED_DIM


def setup_inputs(seed: int = 0):
    key = jax.random.key(seed)
    ks = jax.random.split(key, 9)
    x = jax.random.normal(ks[0], (N_TOTAL, EMBED_DIM), dtype=jnp.float32)
    edge_index = jax.random.randint(ks[1], (2, N_EDGES), 0, N_TOTAL, dtype=jnp.int32)
    batch = jnp.sort(jax.random.randint(ks[2], (N_TOTAL,), 0, B_GRAPHS, dtype=jnp.int32))
    conv_W = jax.random.normal(ks[3], (EMBED_DIM, EMBED_DIM), dtype=jnp.float32) * (1.0 / np.sqrt(EMBED_DIM))
    conv_b = jnp.zeros((EMBED_DIM,), dtype=jnp.float32)
    lin1_W = jax.random.normal(ks[4], (D_FLAT, D_FLAT), dtype=jnp.float32) * (1.0 / np.sqrt(D_FLAT))
    lin1_b = jnp.zeros((D_FLAT,), dtype=jnp.float32)
    lin2_W = jax.random.normal(ks[5], (OUTPUT_SIZE, D_FLAT), dtype=jnp.float32) * (1.0 / np.sqrt(D_FLAT))
    lin2_b = jnp.zeros((OUTPUT_SIZE,), dtype=jnp.float32)
    return {"x": x, "edge_index": edge_index, "batch": batch,
            "conv_W": conv_W, "conv_b": conv_b,
            "lin1_W": lin1_W, "lin1_b": lin1_b,
            "lin2_W": lin2_W, "lin2_b": lin2_b}


def _gcn_conv(x, edge_index, conv_W, conv_b):
    # Faithful GCNConv: add self-loops, symmetric D^-1/2 (A+I) D^-1/2 normalization
    n = x.shape[0]
    loop = jnp.arange(n, dtype=edge_index.dtype)
    src = jnp.concatenate([edge_index[0], loop])
    dst = jnp.concatenate([edge_index[1], loop])
    deg = jnp.zeros((n,), dtype=x.dtype).at[dst].add(1.0)
    dinv = jax.lax.rsqrt(deg)  # deg >= 1 thanks to self-loops
    norm = dinv[src] * dinv[dst]
    xw = x @ conv_W.T
    msg = xw[src] * norm[:, None]
    out = jnp.zeros_like(xw).at[dst].add(msg)
    return out + conv_b


def reference(x, edge_index, batch, conv_W, conv_b, lin1_W, lin1_b, lin2_W, lin2_b):
    h = _gcn_conv(x, edge_index, conv_W, conv_b)
    h = jax.nn.relu(h)
    n_graphs = int(np.ceil(batch.shape[0] / NUM_NODES))
    h = h.reshape(n_graphs, NUM_NODES * EMBED_DIM)
    h = jax.nn.relu(h @ lin1_W.T + lin1_b)
    logits = h @ lin2_W.T + lin2_b
    return jax.nn.softmax(logits, axis=-1)

if __name__ == "__main__":
    import jax
    _d = setup_inputs()
    print(jax.jit(kernel)(*tuple(_d.values())))

</pallas_src>

<mosaic_0001>
#map = affine_map<(d0, d1) -> (0)>
#map1 = affine_map<(d0, d1) -> (0, 0)>
module attributes {stable_mosaic.version = 14 : i64} {
  func.func @_deg_sc(%arg0: i32, %arg1: i32, %arg2: memref<65536xi32, #tpu.memory_space<hbm>>, %arg3: memref<32x2048xf32, #tpu.memory_space<hbm>>, %arg4: memref<2048xi32, #tpu.memory_space<vmem>>, %arg5: memref<2048xf32, #tpu.memory_space<vmem>>) attributes {dimension_semantics = [#tpu.dimension_semantics<core_parallel>, #tpu.dimension_semantics<subcore_parallel>], iteration_bounds = array<i64: 2, 16>, scalar_prefetch = 0 : i64, scratch_operands = 2 : i64, tpu.core_type = #tpu.core_type<sc_vector_subcore>, window_params = [{transform_indices = #map}, {transform_indices = #map1}]} {
    %mul3A = arith.constant 16 : i32
    %mul3A_0 = arith.muli %arg0, %mul3A : i32
    %add3A = arith.addi %mul3A_0, %arg1 : i32
    %mul3A_1 = arith.constant 2048 : i32
    %mul3A_2 = arith.muli %add3A, %mul3A_1 : i32
    "tpu.region"() ({
      %run_scoped3A = tpu.sem_alloc : memref<!tpu.dma_semaphore, #tpu.memory_space<semaphore_mem>>
      %dma_start3A = tpu.memref_slice %arg2[%mul3A_2] : memref<65536xi32, #tpu.memory_space<hbm>> -> memref<2048xi32, #tpu.memory_space<hbm>>
      %dma_start3A_15 = tpu.memref_slice %arg2[%mul3A_2] : memref<65536xi32, #tpu.memory_space<hbm>> -> memref<2048xi32, #tpu.memory_space<hbm>>
      tpu.enqueue_dma source(%dma_start3A_15 : memref<2048xi32, #tpu.memory_space<hbm>>) target(%arg4 : memref<2048xi32, #tpu.memory_space<vmem>>) target_semaphore(%run_scoped3A : memref<!tpu.dma_semaphore, #tpu.memory_space<semaphore_mem>>)
      %dma_wait3A = tpu.memref_slice %arg2[%mul3A_2] : memref<65536xi32, #tpu.memory_space<hbm>> -> memref<2048xi32, #tpu.memory_space<hbm>>
      %dma_wait3A_16 = tpu.memref_slice %arg2[%mul3A_2] : memref<65536xi32, #tpu.memory_space<hbm>> -> memref<2048xi32, #tpu.memory_space<hbm>>
      tpu.wait_dma2 semaphore(%run_scoped3A : memref<!tpu.dma_semaphore, #tpu.memory_space<semaphore_mem>>) src(%dma_wait3A_16 : memref<2048xi32, #tpu.memory_space<hbm>>) dst(%arg4 : memref<2048xi32, #tpu.memory_space<vmem>>)
      tpu.yield
    }) : () -> ()
    %scan3A = arith.constant 0 : i32
    %scan3A_3 = arith.constant 0 : i32
    %scan3A_4 = arith.constant 128 : i32
    %scan3A_5 = arith.addi %scan3A_3, %scan3A_4 : i32
    %scan3A_6 = arith.constant 1 : i32
    scf.for %scan3A_15 = %scan3A_3 to %scan3A_5 step %scan3A_6  : i32 {
      %broadcast_in_dim3A_16 = arith.constant 0.000000e+00 : f32
      %broadcast_in_dim3A_17 = vector.broadcast %broadcast_in_dim3A_16 : f32 to vector<16xf32>
      %mul3A_18 = arith.constant 16 : i32
      %mul3A_19 = arith.muli %scan3A_15, %mul3A_18 : i32
      %swap3A = arith.index_cast %mul3A_19 : i32 to index
      %swap3A_20 = tpu.vector_load %arg5[%swap3A] {strides = array<i32>} : memref<2048xf32, #tpu.memory_space<vmem>>, vector<16xf32>,
      tpu.vector_store %arg5[%swap3A], %broadcast_in_dim3A_17 {strides = array<i32>} : memref<2048xf32, #tpu.memory_space<vmem>>, vector<16xf32>,
    }
    %scan3A_7 = arith.constant 128 : i32
    %broadcast_in_dim3A = arith.constant 1.000000e+00 : f32
    %broadcast_in_dim3A_8 = vector.broadcast %broadcast_in_dim3A : f32 to vector<16xf32>
    %scan3A_9 = arith.constant 0 : i32
    %scan3A_10 = arith.constant 0 : i32
    %scan3A_11 = arith.constant 128 : i32
    %scan3A_12 = arith.addi %scan3A_10, %scan3A_11 : i32
    %scan3A_13 = arith.constant 1 : i32
    scf.for %scan3A_15 = %scan3A_10 to %scan3A_12 step %scan3A_13  : i32 {
      %mul3A_16 = arith.constant 16 : i32
      %mul3A_17 = arith.muli %scan3A_15, %mul3A_16 : i32
      %get3A = arith.index_cast %mul3A_17 : i32 to index
      %get3A_18 = tpu.vector_load %arg4[%get3A] {strides = array<i32>} : memref<2048xi32, #tpu.memory_space<vmem>>, vector<16xi32>,
      tpu.vector_store_idx %arg5[%get3A_18], %broadcast_in_dim3A_8 {add = true} : memref<2048xf32, #tpu.memory_space<vmem>>[vector<16xi32>], vector<16xf32>,
    }
    %scan3A_14 = arith.constant 128 : i32
    "tpu.region"() ({
      %run_scoped3A = tpu.sem_alloc : memref<!tpu.dma_semaphore, #tpu.memory_space<semaphore_mem>>
      %dma_start3A = arith.constant 0 : i32
      %dma_start3A_15 = tpu.memref_slice %arg3[%add3A, %dma_start3A] : memref<32x2048xf32, #tpu.memory_space<hbm>> -> memref<1x2048xf32, #tpu.memory_space<hbm>>
      %dma_start3A_16 = tpu.memref_squeeze %dma_start3A_15 : memref<1x2048xf32, #tpu.memory_space<hbm>> -> memref<2048xf32, #tpu.memory_space<hbm>>
      %dma_start3A_17 = arith.constant 0 : i32
      %dma_start3A_18 = tpu.memref_slice %arg3[%add3A, %dma_start3A_17] : memref<32x2048xf32, #tpu.memory_space<hbm>> -> memref<1x2048xf32, #tpu.memory_space<hbm>>
      %dma_start3A_19 = tpu.memref_squeeze %dma_start3A_18 : memref<1x2048xf32, #tpu.memory_space<hbm>> -> memref<2048xf32, #tpu.memory_space<hbm>>
      tpu.enqueue_dma source(%arg5 : memref<2048xf32, #tpu.memory_space<vmem>>) target(%dma_start3A_19 : memref<2048xf32, #tpu.memory_space<hbm>>) target_semaphore(%run_scoped3A : memref<!tpu.dma_semaphore, #tpu.memory_space<semaphore_mem>>)
      %dma_wait3A = arith.constant 0 : i32
      %dma_wait3A_20 = tpu.memref_slice %arg3[%add3A, %dma_wait3A] : memref<32x2048xf32, #tpu.memory_space<hbm>> -> memref<1x2048xf32, #tpu.memory_space<hbm>>
      %dma_wait3A_21 = tpu.memref_squeeze %dma_wait3A_20 : memref<1x2048xf32, #tpu.memory_space<hbm>> -> memref<2048xf32, #tpu.memory_space<hbm>>
      %dma_wait3A_22 = arith.constant 0 : i32
      %dma_wait3A_23 = tpu.memref_slice %arg3[%add3A, %dma_wait3A_22] : memref<32x2048xf32, #tpu.memory_space<hbm>> -> memref<1x2048xf32, #tpu.memory_space<hbm>>
      %dma_wait3A_24 = tpu.memref_squeeze %dma_wait3A_23 : memref<1x2048xf32, #tpu.memory_space<hbm>> -> memref<2048xf32, #tpu.memory_space<hbm>>
      tpu.wait_dma2 semaphore(%run_scoped3A : memref<!tpu.dma_semaphore, #tpu.memory_space<semaphore_mem>>) src(%arg5 : memref<2048xf32, #tpu.memory_space<vmem>>) dst(%dma_wait3A_24 : memref<2048xf32, #tpu.memory_space<hbm>>)
      tpu.yield
    }) : () -> ()
    return
  }
}

#map = affine_map<(d0, d1) -> (0, 0)>
#map1 = affine_map<(d0, d1) -> (0, 0, 0)>
module attributes {stable_mosaic.version = 14 : i64} {
  func.func @_gs_sc(%arg0: i32, %arg1: i32, %arg2: memref<512x128xi32, #tpu.memory_space<hbm>>, %arg3: memref<512x128xi32, #tpu.memory_space<hbm>>, %arg4: memref<2048x128xf32, #tpu.memory_space<hbm>>, %arg5: memref<2048x128xf32, #tpu.memory_space<hbm>>, %arg6: memref<2x2048x128xf32, #tpu.memory_space<hbm>>, %arg7: memref<16x128xi32, #tpu.memory_space<vmem>>, %arg8: memref<16x128xi32, #tpu.memory_space<vmem>>, %arg9: memref<6x128x128xf32, #tpu.memory_space<vmem>>, %arg10: memref<2048x128xf32, #tpu.memory_space<vmem_shared>>, %arg11: memref<!tpu.dma_semaphore, #tpu.memory_space<semaphore_mem>>, %arg12: memref<!tpu.dma_semaphore, #tpu.memory_space<semaphore_mem>>, %arg13: memref<!tpu.dma_semaphore, #tpu.memory_space<semaphore_mem>>, %arg14: memref<!tpu.dma_semaphore, #tpu.memory_space<semaphore_mem>>, %arg15: memref<!tpu.dma_semaphore, #tpu.memory_space<semaphore_mem>>, %arg16: memref<!tpu.dma_semaphore, #tpu.memory_space<semaphore_mem>>, %arg17: memref<!tpu.dma_semaphore, #tpu.memory_space<semaphore_mem>>, %arg18: memref<!tpu.dma_semaphore, #tpu.memory_space<semaphore_mem>>, %arg19: memref<!tpu.dma_semaphore, #tpu.memory_space<semaphore_mem>>, %arg20: memref<!tpu.dma_semaphore, #tpu.memory_space<semaphore_mem>>, %arg21: memref<!tpu.dma_semaphore, #tpu.memory_space<semaphore_mem>>, %arg22: memref<!tpu.dma_semaphore, #tpu.memory_space<semaphore_mem>>) attributes {dimension_semantics = [#tpu.dimension_semantics<core_parallel>, #tpu.dimension_semantics<subcore_parallel>], iteration_bounds = array<i64: 2, 16>, scalar_prefetch = 0 : i64, scratch_operands = 16 : i64, tpu.core_type = #tpu.core_type<sc_vector_subcore>, window_params = [{transform_indices = #map}, {transform_indices = #map}, {transform_indices = #map}, {transform_indices = #map}, {transform_indices = #map1}]} {
    %mul3A = arith.constant 16 : i32
    %mul3A_0 = arith.muli %arg0, %mul3A : i32
    %add3A = arith.addi %mul3A_0, %arg1 : i32
    %mul3A_1 = arith.constant 16 : i32
    %mul3A_2 = arith.muli %add3A, %mul3A_1 : i32
    "tpu.region"() ({
      %run_scoped3A = tpu.sem_alloc : memref<!tpu.dma_semaphore, #tpu.memory_space<semaphore_mem>>
      %dma_start3A_780 = arith.constant 0 : i32
      %dma_start3A_781 = tpu.memref_slice %arg2[%mul3A_2, %dma_start3A_780] : memref<512x128xi32, #tpu.memory_space<hbm>> -> memref<16x128xi32, #tpu.memory_space<hbm>>
      %dma_start3A_782 = arith.constant 0 : i32
      %dma_start3A_783 = tpu.memref_slice %arg2[%mul3A_2, %dma_start3A_782] : memref<512x128xi32, #tpu.memory_space<hbm>> -> memref<16x128xi32, #tpu.memory_space<hbm>>
      tpu.enqueue_dma source(%dma_start3A_783 : memref<16x128xi32, #tpu.memory_space<hbm>>) target(%arg7 : memref<16x128xi32, #tpu.memory_space<vmem>>) target_semaphore(%run_scoped3A : memref<!tpu.dma_semaphore, #tpu.memory_space<semaphore_mem>>)
      %dma_wait3A_784 = arith.constant 0 : i32
      %dma_wait3A_785 = tpu.memref_slice %arg2[%mul3A_2, %dma_wait3A_784] : memref<512x128xi32, #tpu.memory_space<hbm>> -> memref<16x128xi32, #tpu.memory_space<hbm>>
      %dma_wait3A_786 = arith.constant 0 : i32
      %dma_wait3A_787 = tpu.memref_slice %arg2[%mul3A_2, %dma_wait3A_786] : memref<512x128xi32, #tpu.memory_space<hbm>> -> memref<16x128xi32, #tpu.memory_space<hbm>>
      tpu.wait_dma2 semaphore(%run_scoped3A : memref<!tpu.dma_semaphore, #tpu.memory_space<semaphore_mem>>) src(%dma_wait3A_787 : memref<16x128xi32, #tpu.memory_space<hbm>>) dst(%arg7 : memref<16x128xi32, #tpu.memory_space<vmem>>)
      tpu.yield
    }) : () -> ()
    %mul3A_3 = arith.constant 16 : i32
    %mul3A_4 = arith.muli %add3A, %mul3A_3 : i32
    "tpu.region"() ({
      %run_scoped3A = tpu.sem_alloc : memref<!tpu.dma_semaphore, #tpu.memory_space<semaphore_mem>>
      %dma_start3A_780 = arith.constant 0 : i32
      %dma_start3A_781 = tpu.memref_slice %arg3[%mul3A_4, %dma_start3A_780] : memref<512x128xi32, #tpu.memory_space<hbm>> -> memref<16x128xi32, #tpu.memory_space<hbm>>
      %dma_start3A_782 = arith.constant 0 : i32
      %dma_start3A_783 = tpu.memref_slice %arg3[%mul3A_4, %dma_start3A_782] : memref<512x128xi32, #tpu.memory_space<hbm>> -> memref<16x128xi32, #tpu.memory_space<hbm>>
      tpu.enqueue_dma source(%dma_start3A_783 : memref<16x128xi32, #tpu.memory_space<hbm>>) target(%arg8 : memref<16x128xi32, #tpu.memory_space<vmem>>) target_semaphore(%run_scoped3A : memref<!tpu.dma_semaphore, #tpu.memory_space<semaphore_mem>>)
      %dma_wait3A_784 = arith.constant 0 : i32
      %dma_wait3A_785 = tpu.memref_slice %arg3[%mul3A_4, %dma_wait3A_784] : memref<512x128xi32, #tpu.memory_space<hbm>> -> memref<16x128xi32, #tpu.memory_space<hbm>>
      %dma_wait3A_786 = arith.constant 0 : i32
      %dma_wait3A_787 = tpu.memref_slice %arg3[%mul3A_4, %dma_wait3A_786] : memref<512x128xi32, #tpu.memory_space<hbm>> -> memref<16x128xi32, #tpu.memory_space<hbm>>
      tpu.wait_dma2 semaphore(%run_scoped3A : memref<!tpu.dma_semaphore, #tpu.memory_space<semaphore_mem>>) src(%dma_wait3A_787 : memref<16x128xi32, #tpu.memory_space<hbm>>) dst(%arg8 : memref<16x128xi32, #tpu.memory_space<vmem>>)
      tpu.yield
    }) : () -> ()
    %mul3A_5 = arith.constant 128 : i32
    %mul3A_6 = arith.muli %arg1, %mul3A_5 : i32
    %mul3A_7 = arith.constant 128 : i32
    %mul3A_8 = arith.muli %arg1, %mul3A_7 : i32
    "tpu.region"() ({
      %run_scoped3A = tpu.sem_alloc : memref<!tpu.dma_semaphore, #tpu.memory_space<semaphore_mem>>
      %dma_start3A_780 = arith.constant 0 : i32
      %dma_start3A_781 = tpu.memref_slice %arg10[%mul3A_8, %dma_start3A_780] : memref<2048x128xf32, #tpu.memory_space<vmem_shared>> -> memref<128x128xf32, #tpu.memory_space<vmem_shared>>
      %dma_start3A_782 = arith.constant 0 : i32
      %dma_start3A_783 = tpu.memref_slice %arg5[%mul3A_6, %dma_start3A_782] : memref<2048x128xf32, #tpu.memory_space<hbm>> -> memref<128x128xf32, #tpu.memory_space<hbm>>
      tpu.enqueue_dma source(%dma_start3A_783 : memref<128x128xf32, #tpu.memory_space<hbm>>) target(%dma_start3A_781 : memref<128x128xf32, #tpu.memory_space<vmem_shared>>) target_semaphore(%run_scoped3A : memref<!tpu.dma_semaphore, #tpu.memory_space<semaphore_mem>>)
      %dma_wait3A_784 = arith.constant 0 : i32
      %dma_wait3A_785 = tpu.memref_slice %arg10[%mul3A_8, %dma_wait3A_784] : memref<2048x128xf32, #tpu.memory_space<vmem_shared>> -> memref<128x128xf32, #tpu.memory_space<vmem_shared>>
      %dma_wait3A_786 = arith.constant 0 : i32
      %dma_wait3A_787 = tpu.memref_slice %arg5[%mul3A_6, %dma_wait3A_786] : memref<2048x128xf32, #tpu.memory_space<hbm>> -> memref<128x128xf32, #tpu.memory_space<hbm>>
      tpu.wait_dma2 semaphore(%run_scoped3A : memref<!tpu.dma_semaphore, #tpu.memory_space<semaphore_mem>>) src(%dma_wait3A_787 : memref<128x128xf32, #tpu.memory_space<hbm>>) dst(%dma_wait3A_785 : memref<128x128xf32, #tpu.memory_space<vmem_shared>>)
      tpu.yield
    }) : () -> ()
    %dma_start3A = arith.constant 0 : i32
    %dma_start3A_9 = arith.constant 0 : i32
    %dma_start3A_10 = arith.constant 0 : i32
    %dma_start3A_11 = arith.constant 0 : i32
    %dma_start3A_12 = tpu.memref_slice %arg9[%dma_start3A_9, %dma_start3A_10, %dma_start3A_11] : memref<6x128x128xf32, #tpu.memory_space<vmem>> -> memref<1x128x128xf32, #tpu.memory_space<vmem>>
    %dma_start3A_13 = tpu.memref_squeeze %dma_start3A_12 : memref<1x128x128xf32, #tpu.memory_space<vmem>> -> memref<128x128xf32, #tpu.memory_space<vmem>>
    %dma_start3A_14 = arith.constant 0 : i32
    %dma_start3A_15 = tpu.memref_slice %arg7[%dma_start3A, %dma_start3A_14] : memref<16x128xi32, #tpu.memory_space<vmem>> -> memref<1x128xi32, #tpu.memory_space<vmem>>
    %dma_start3A_16 = tpu.memref_squeeze %dma_start3A_15 : memref<1x128xi32, #tpu.memory_space<vmem>> -> memref<128xi32, #tpu.memory_space<vmem>>
    %dma_start3A_17 = arith.constant 0 : i32
    %dma_start3A_18 = arith.constant 0 : i32
    %dma_start3A_19 = tpu.memref_slice %arg4[%dma_start3A_17, %dma_start3A_18] : memref<2048x128xf32, #tpu.memory_space<hbm>> -> memref<2048x128xf32, #tpu.memory_space<hbm>>
    tpu.enqueue_indirect_dma source(%dma_start3A_19 : memref<2048x128xf32, #tpu.memory_space<hbm>>) target(%dma_start3A_13 : memref<128x128xf32, #tpu.memory_space<vmem>>) offsets(%dma_start3A_16 : memref<128xi32, #tpu.memory_space<vmem>>) semaphore(%arg11 : memref<!tpu.dma_semaphore, #tpu.memory_space<semaphore_mem>>)
    %dma_start3A_20 = arith.constant 1 : i32
    %dma_start3A_21 = arith.constant 1 : i32
    %dma_start3A_22 = arith.constant 0 : i32
    %dma_start3A_23 = arith.constant 0 : i32
    %dma_start3A_24 = tpu.memref_slice %arg9[%dma_start3A_21, %dma_start3A_22, %dma_start3A_23] : memref<6x128x128xf32, #tpu.memory_space<vmem>> -> memref<1x128x128xf32, #tpu.memory_space<vmem>>
    %dma_start3A_25 = tpu.memref_squeeze %dma_start3A_24 : memref<1x128x128xf32, #tpu.memory_space<vmem>> -> memref<128x128xf32, #tpu.memory_space<vmem>>
    %dma_start3A_26 = arith.constant 0 : i32
    %dma_start3A_27 = tpu.memref_slice %arg7[%dma_start3A_20, %dma_start3A_26] : memref<16x128xi32, #tpu.memory_space<vmem>> -> memref<1x128xi32, #tpu.memory_space<vmem>>
    %dma_start3A_28 = tpu.memref_squeeze %dma_start3A_27 : memref<1x128xi32, #tpu.memory_space<vmem>> -> memref<128xi32, #tpu.memory_space<vmem>>
    %dma_start3A_29 = arith.constant 0 : i32
    %dma_start3A_30 = arith.constant 0 : i32
    %dma_start3A_31 = tpu.memref_slice %arg4[%dma_start3A_29, %dma_start3A_30] : memref<2048x128xf32, #tpu.memory_space<hbm>> -> memref<2048x128xf32, #tpu.memory_space<hbm>>
    tpu.enqueue_indirect_dma source(%dma_start3A_31 : memref<2048x128xf32, #tpu.memory_space<hbm>>) target(%dma_start3A_25 : memref<128x128xf32, #tpu.memory_space<vmem>>) offsets(%dma_start3A_28 : memref<128xi32, #tpu.memory_space<vmem>>) semaphore(%arg12 : memref<!tpu.dma_semaphore, #tpu.memory_space<semaphore_mem>>)
    %dma_start3A_32 = arith.constant 2 : i32
    %dma_start3A_33 = arith.constant 2 : i32
    %dma_start3A_34 = arith.constant 0 : i32
    %dma_start3A_35 = arith.constant 0 : i32
    %dma_start3A_36 = tpu.memref_slice %arg9[%dma_start3A_33, %dma_start3A_34, %dma_start3A_35] : memref<6x128x128xf32, #tpu.memory_space<vmem>> -> memref<1x128x128xf32, #tpu.memory_space<vmem>>
    %dma_start3A_37 = tpu.memref_squeeze %dma_start3A_36 : memref<1x128x128xf32, #tpu.memory_space<vmem>> -> memref<128x128xf32, #tpu.memory_space<vmem>>
    %dma_start3A_38 = arith.constant 0 : i32
    %dma_start3A_39 = tpu.memref_slice %arg7[%dma_start3A_32, %dma_start3A_38] : memref<16x128xi32, #tpu.memory_space<vmem>> -> memref<1x128xi32, #tpu.memory_space<vmem>>
    %dma_start3A_40 = tpu.memref_squeeze %dma_start3A_39 : memref<1x128xi32, #tpu.memory_space<vmem>> -> memref<128xi32, #tpu.memory_space<vmem>>
    %dma_start3A_41 = arith.constant 0 : i32
    %dma_start3A_42 = arith.constant 0 : i32
    %dma_start3A_43 = tpu.memref_slice %arg4[%dma_start3A_41, %dma_start3A_42] : memref<2048x128xf32, #tpu.memory_space<hbm>> -> memref<2048x128xf32, #tpu.memory_space<hbm>>
    tpu.enqueue_indirect_dma source(%dma_start3A_43 : memref<2048x128xf32, #tpu.memory_space<hbm>>) target(%dma_start3A_37 : memref<128x128xf32, #tpu.memory_space<vmem>>) offsets(%dma_start3A_40 : memref<128xi32, #tpu.memory_space<vmem>>) semaphore(%arg13 : memref<!tpu.dma_semaphore, #tpu.memory_space<semaphore_mem>>)
    %barrier3A = arith.constant 0 : index
    tpu.barrier barrier_id(%barrier3A)
    %dma_start3A_44 = arith.constant 3 : i32
    %dma_start3A_45 = arith.constant 3 : i32
    %dma_start3A_46 = arith.constant 0 : i32
    %dma_start3A_47 = arith.constant 0 : i32
    %dma_start3A_48 = tpu.memref_slice %arg9[%dma_start3A_45, %dma_start3A_46, %dma_start3A_47] : memref<6x128x128xf32, #tpu.memory_space<vmem>> -> memref<1x128x128xf32, #tpu.memory_space<vmem>>
    %dma_start3A_49 = tpu.memref_squeeze %dma_start3A_48 : memref<1x128x128xf32, #tpu.memory_space<vmem>> -> memref<128x128xf32, #tpu.memory_space<vmem>>
    %dma_start3A_50 = arith.constant 0 : i32
    %dma_start3A_51 = tpu.memref_slice %arg7[%dma_start3A_44, %dma_start3A_50] : memref<16x128xi32, #tpu.memory_space<vmem>> -> memref<1x128xi32, #tpu.memory_space<vmem>>
    %dma_start3A_52 = tpu.memref_squeeze %dma_start3A_51 : memref<1x128xi32, #tpu.memory_space<vmem>> -> memref<128xi32, #tpu.memory_space<vmem>>
    %dma_start3A_53 = arith.constant 0 : i32
    %dma_start3A_54 = arith.constant 0 : i32
    %dma_start3A_55 = tpu.memref_slice %arg4[%dma_start3A_53, %dma_start3A_54] : memref<2048x128xf32, #tpu.memory_space<hbm>> -> memref<2048x128xf32, #tpu.memory_space<hbm>>
    tpu.enqueue_indirect_dma source(%dma_start3A_55 : memref<2048x128xf32, #tpu.memory_space<hbm>>) target(%dma_start3A_49 : memref<128x128xf32, #tpu.memory_space<vmem>>) offsets(%dma_start3A_52 : memref<128xi32, #tpu.memory_space<vmem>>) semaphore(%arg14 : memref<!tpu.dma_semaphore, #tpu.memory_space<semaphore_mem>>)
    %dma_wait3A = arith.constant 0 : i32
    %dma_wait3A_56 = arith.constant 0 : i32
    %dma_wait3A_57 = arith.constant 0 : i32
    %dma_wait3A_58 = arith.constant 0 : i32
    %dma_wait3A_59 = tpu.memref_slice %arg9[%dma_wait3A_56, %dma_wait3A_57, %dma_wait3A_58] : memref<6x128x128xf32, #tpu.memory_space<vmem>> -> memref<1x128x128xf32, #tpu.memory_space<vmem>>
    %dma_wait3A_60 = tpu.memref_squeeze %dma_wait3A_59 : memref<1x128x128xf32, #tpu.memory_space<vmem>> -> memref<128x128xf32, #tpu.memory_space<vmem>>
    %dma_wait3A_61 = arith.constant 0 : i32
    %dma_wait3A_62 = tpu.memref_slice %arg7[%dma_wait3A, %dma_wait3A_61] : memref<16x128xi32, #tpu.memory_space<vmem>> -> memref<1x128xi32, #tpu.memory_space<vmem>>
    %dma_wait3A_63 = tpu.memref_squeeze %dma_wait3A_62 : memref<1x128xi32, #tpu.memory_space<vmem>> -> memref<128xi32, #tpu.memory_space<vmem>>
    %dma_wait3A_64 = arith.constant 0 : i32
    %dma_wait3A_65 = arith.constant 0 : i32
    %dma_wait3A_66 = tpu.memref_slice %arg4[%dma_wait3A_64, %dma_wait3A_65] : memref<2048x128xf32, #tpu.memory_space<hbm>> -> memref<2048x128xf32, #tpu.memory_space<hbm>>
    tpu.wait_indirect_dma semaphore(%arg11 : memref<!tpu.dma_semaphore, #tpu.memory_space<semaphore_mem>>) src(%dma_wait3A_66 : memref<2048x128xf32, #tpu.memory_space<hbm>>) dst(%dma_wait3A_60 : memref<128x128xf32, #tpu.memory_space<vmem>>)
    %dma_start3A_67 = arith.constant 0 : i32
    %dma_start3A_68 = arith.constant 0 : i32
    %dma_start3A_69 = arith.constant 0 : i32
    %dma_start3A_70 = arith.constant 0 : i32
    %dma_start3A_71 = tpu.memref_slice %arg9[%dma_start3A_67, %dma_start3A_69, %dma_start3A_70] : memref<6x128x128xf32, #tpu.memory_space<vmem>> -> memref<1x128x128xf32, #tpu.memory_space<vmem>>
    %dma_start3A_72 = tpu.memref_squeeze %dma_start3A_71 : memref<1x128x128xf32, #tpu.memory_space<vmem>> -> memref<128x128xf32, #tpu.memory_space<vmem>>
    %dma_start3A_73 = arith.constant 0 : i32
    %dma_start3A_74 = tpu.memref_slice %arg8[%dma_start3A_68, %dma_start3A_73] : memref<16x128xi32, #tpu.memory_space<vmem>> -> memref<1x128xi32, #tpu.memory_space<vmem>>
    %dma_start3A_75 = tpu.memref_squeeze %dma_start3A_74 : memref<1x128xi32, #tpu.memory_space<vmem>> -> memref<128xi32, #tpu.memory_space<vmem>>
    %dma_start3A_76 = arith.constant 0 : i32
    %dma_start3A_77 = arith.constant 0 : i32
    %dma_start3A_78 = tpu.memref_slice %arg10[%dma_start3A_76, %dma_start3A_77] : memref<2048x128xf32, #tpu.memory_space<vmem_shared>> -> memref<2048x128xf32, #tpu.memory_space<vmem_shared>>
    tpu.enqueue_indirect_dma source(%dma_start3A_72 : memref<128x128xf32, #tpu.memory_space<vmem>>) target(%dma_start3A_78 : memref<2048x128xf32, #tpu.memory_space<vmem_shared>>) offsets(%dma_start3A_75 : memref<128xi32, #tpu.memory_space<vmem>>) semaphore(%arg17 : memref<!tpu.dma_semaphore, #tpu.memory_space<semaphore_mem>>) {add = true}
    %dma_start3A_79 = arith.constant 4 : i32
    %dma_start3A_80 = arith.constant 4 : i32
    %dma_start3A_81 = arith.constant 0 : i32
    %dma_start3A_82 = arith.constant 0 : i32
    %dma_start3A_83 = tpu.memref_slice %arg9[%dma_start3A_80, %dma_start3A_81, %dma_start3A_82] : memref<6x128x128xf32, #tpu.memory_space<vmem>> -> memref<1x128x128xf32, #tpu.memory_space<vmem>>
    %dma_start3A_84 = tpu.memref_squeeze %dma_start3A_83 : memref<1x128x128xf32, #tpu.memory_space<vmem>> -> memref<128x128xf32, #tpu.memory_space<vmem>>
    %dma_start3A_85 = arith.constant 0 : i32
    %dma_start3A_86 = tpu.memref_slice %arg7[%dma_start3A_79, %dma_start3A_85] : memref<16x128xi32, #tpu.memory_space<vmem>> -> memref<1x128xi32, #tpu.memory_space<vmem>>
    %dma_start3A_87 = tpu.memref_squeeze %dma_start3A_86 : memref<1x128xi32, #tpu.memory_space<vmem>> -> memref<128xi32, #tpu.memory_space<vmem>>
    %dma_start3A_88 = arith.constant 0 : i32
    %dma_start3A_89 = arith.constant 0 : i32
    %dma_start3A_90 = tpu.memref_slice %arg4[%dma_start3A_88, %dma_start3A_89] : memref<2048x128xf32, #tpu.memory_space<hbm>> -> memref<2048x128xf32, #tpu.memory_space<hbm>>
    tpu.enqueue_indirect_dma source(%dma_start3A_90 : memref<2048x128xf32, #tpu.memory_space<hbm>>) target(%dma_start3A_84 : memref<128x128xf32, #tpu.memory_space<vmem>>) offsets(%dma_start3A_87 : memref<128xi32, #tpu.memory_space<vmem>>) semaphore(%arg15 : memref<!tpu.dma_semaphore, #tpu.memory_space<semaphore_mem>>)
    %dma_wait3A_91 = arith.constant 1 : i32
    %dma_wait3A_92 = arith.constant 1 : i32
    %dma_wait3A_93 = arith.constant 0 : i32
    %dma_wait3A_94 = arith.constant 0 : i32
    %dma_wait3A_95 = tpu.memref_slice %arg9[%dma_wait3A_92, %dma_wait3A_93, %dma_wait3A_94] : memref<6x128x128xf32, #tpu.memory_space<vmem>> -> memref<1x128x128xf32, #tpu.memory_space<vmem>>
    %dma_wait3A_96 = tpu.memref_squeeze %dma_wait3A_95 : memref<1x128x128xf32, #tpu.memory_space<vmem>> -> memref<128x128xf32, #tpu.memory_space<vmem>>
    %dma_wait3A_97 = arith.constant 0 : i32
    %dma_wait3A_98 = tpu.memref_slice %arg7[%dma_wait3A_91, %dma_wait3A_97] : memref<16x128xi32, #tpu.memory_space<vmem>> -> memref<1x128xi32, #tpu.memory_space<vmem>>
    %dma_wait3A_99 = tpu.memref_squeeze %dma_wait3A_98 : memref<1x128xi32, #tpu.memory_space<vmem>> -> memref<128xi32, #tpu.memory_space<vmem>>
    %dma_wait3A_100 = arith.constant 0 : i32
    %dma_wait3A_101 = arith.constant 0 : i32
    %dma_wait3A_102 = tpu.memref_slice %arg4[%dma_wait3A_100, %dma_wait3A_101] : memref<2048x128xf32, #tpu.memory_space<hbm>> -> memref<2048x128xf32, #tpu.memory_space<hbm>>
    tpu.wait_indirect_dma semaphore(%arg12 : memref<!tpu.dma_semaphore, #tpu.memory_space<semaphore_mem>>) src(%dma_wait3A_102 : memref<2048x128xf32, #tpu.memory_space<hbm>>) dst(%dma_wait3A_96 : memref<128x128xf32, #tpu.memory_space<vmem>>)
    %dma_start3A_103 = arith.constant 1 : i32
    %dma_start3A_104 = arith.constant 1 : i32
    %dma_start3A_105 = arith.constant 0 : i32
    %dma_start3A_106 = arith.constant 0 : i32
    %dma_start3A_107 = tpu.memref_slice %arg9[%dma_start3A_103, %dma_start3A_105, %dma_start3A_106] : memref<6x128x128xf32, #tpu.memory_space<vmem>> -> memref<1x128x128xf32, #tpu.memory_space<vmem>>
    %dma_start3A_108 = tpu.memref_squeeze %dma_start3A_107 : memref<1x128x128xf32, #tpu.memory_space<vmem>> -> memref<128x128xf32, #tpu.memory_space<vmem>>
    %dma_start3A_109 = arith.constant 0 : i32
    %dma_start3A_110 = tpu.memref_slice %arg8[%dma_start3A_104, %dma_start3A_109] : memref<16x128xi32, #tpu.memory_space<vmem>> -> memref<1x128xi32, #tpu.memory_space<vmem>>
    %dma_start3A_111 = tpu.memref_squeeze %dma_start3A_110 : memref<1x128xi32, #tpu.memory_space<vmem>> -> memref<128xi32, #tpu.memory_space<vmem>>
    %dma_start3A_112 = arith.constant 0 : i32
    %dma_start3A_113 = arith.constant 0 : i32
    %dma_start3A_114 = tpu.memref_slice %arg10[%dma_start3A_112, %dma_start3A_113] : memref<2048x128xf32, #tpu.memory_space<vmem_shared>> -> memref<2048x128xf32, #tpu.memory_space<vmem_shared>>
    tpu.enqueue_indirect_dma source(%dma_start3A_108 : memref<128x128xf32, #tpu.memory_space<vmem>>) target(%dma_start3A_114 : memref<2048x128xf32, #tpu.memory_space<vmem_shared>>) offsets(%dma_start3A_111 : memref<128xi32, #tpu.memory_space<vmem>>) semaphore(%arg18 : memref<!tpu.dma_semaphore, #tpu.memory_space<semaphore_mem>>) {add = true}
    %dma_start3A_115 = arith.constant 5 : i32
    %dma_start3A_116 = arith.constant 5 : i32
    %dma_start3A_117 = arith.constant 0 : i32
    %dma_start3A_118 = arith.constant 0 : i32
    %dma_start3A_119 = tpu.memref_slice %arg9[%dma_start3A_116, %dma_start3A_117, %dma_start3A_118] : memref<6x128x128xf32, #tpu.memory_space<vmem>> -> memref<1x128x128xf32, #tpu.memory_space<vmem>>
    %dma_start3A_120 = tpu.memref_squeeze %dma_start3A_119 : memref<1x128x128xf32, #tpu.memory_space<vmem>> -> memref<128x128xf32, #tpu.memory_space<vmem>>
    %dma_start3A_121 = arith.constant 0 : i32
    %dma_start3A_122 = tpu.memref_slice %arg7[%dma_start3A_115, %dma_start3A_121] : memref<16x128xi32, #tpu.memory_space<vmem>> -> memref<1x128xi32, #tpu.memory_space<vmem>>
    %dma_start3A_123 = tpu.memref_squeeze %dma_start3A_122 : memref<1x128xi32, #tpu.memory_space<vmem>> -> memref<128xi32, #tpu.memory_space<vmem>>
    %dma_start3A_124 = arith.constant 0 : i32
    %dma_start3A_125 = arith.constant 0 : i32
    %dma_start3A_126 = tpu.memref_slice %arg4[%dma_start3A_124, %dma_start3A_125] : memref<2048x128xf32, #tpu.memory_space<hbm>> -> memref<2048x128xf32, #tpu.memory_space<hbm>>
    tpu.enqueue_indirect_dma source(%dma_start3A_126 : memref<2048x128xf32, #tpu.memory_space<hbm>>) target(%dma_start3A_120 : memref<128x128xf32, #tpu.memory_space<vmem>>) offsets(%dma_start3A_123 : memref<128xi32, #tpu.memory_space<vmem>>) semaphore(%arg16 : memref<!tpu.dma_semaphore, #tpu.memory_space<semaphore_mem>>)
    %dma_wait3A_127 = arith.constant 2 : i32
    %dma_wait3A_128 = arith.constant 2 : i32
    %dma_wait3A_129 = arith.constant 0 : i32
    %dma_wait3A_130 = arith.constant 0 : i32
    %dma_wait3A_131 = tpu.memref_slice %arg9[%dma_wait3A_128, %dma_wait3A_129, %dma_wait3A_130] : memref<6x128x128xf32, #tpu.memory_space<vmem>> -> memref<1x128x128xf32, #tpu.memory_space<vmem>>
    %dma_wait3A_132 = tpu.memref_squeeze %dma_wait3A_131 : memref<1x128x128xf32, #tpu.memory_space<vmem>> -> memref<128x128xf32, #tpu.memory_space<vmem>>
    %dma_wait3A_133 = arith.constant 0 : i32
    %dma_wait3A_134 = tpu.memref_slice %arg7[%dma_wait3A_127, %dma_wait3A_133] : memref<16x128xi32, #tpu.memory_space<vmem>> -> memref<1x128xi32, #tpu.memory_space<vmem>>
    %dma_wait3A_135 = tpu.memref_squeeze %dma_wait3A_134 : memref<1x128xi32, #tpu.memory_space<vmem>> -> memref<128xi32, #tpu.memory_space<vmem>>
    %dma_wait3A_136 = arith.constant 0 : i32
    %dma_wait3A_137 = arith.constant 0 : i32
    %dma_wait3A_138 = tpu.memref_slice %arg4[%dma_wait3A_136, %dma_wait3A_137] : memref<2048x128xf32, #tpu.memory_space<hbm>> -> memref<2048x128xf32, #tpu.memory_space<hbm>>
    tpu.wait_indirect_dma semaphore(%arg13 : memref<!tpu.dma_semaphore, #tpu.memory_space<semaphore_mem>>) src(%dma_wait3A_138 : memref<2048x128xf32, #tpu.memory_space<hbm>>) dst(%dma_wait3A_132 : memref<128x128xf32, #tpu.memory_space<vmem>>)
    %dma_start3A_139 = arith.constant 2 : i32
    %dma_start3A_140 = arith.constant 2 : i32
    %dma_start3A_141 = arith.constant 0 : i32
    %dma_start3A_142 = arith.constant 0 : i32
    %dma_start3A_143 = tpu.memref_slice %arg9[%dma_start3A_139, %dma_start3A_141, %dma_start3A_142] : memref<6x128x128xf32, #tpu.memory_space<vmem>> -> memref<1x128x128xf32, #tpu.memory_space<vmem>>
    %dma_start3A_144 = tpu.memref_squeeze %dma_start3A_143 : memref<1x128x128xf32, #tpu.memory_space<vmem>> -> memref<128x128xf32, #tpu.memory_space<vmem>>
    %dma_start3A_145 = arith.constant 0 : i32
    %dma_start3A_146 = tpu.memref_slice %arg8[%dma_start3A_140, %dma_start3A_145] : memref<16x128xi32, #tpu.memory_space<vmem>> -> memref<1x128xi32, #tpu.memory_space<vmem>>
    %dma_start3A_147 = tpu.memref_squeeze %dma_start3A_146 : memref<1x128xi32, #tpu.memory_space<vmem>> -> memref<128xi32, #tpu.memory_space<vmem>>
    %dma_start3A_148 = arith.constant 0 : i32
    %dma_start3A_149 = arith.constant 0 : i32
    %dma_start3A_150 = tpu.memref_slice %arg10[%dma_start3A_148, %dma_start3A_149] : memref<2048x128xf32, #tpu.memory_space<vmem_shared>> -> memref<2048x128xf32, #tpu.memory_space<vmem_shared>>
    tpu.enqueue_indirect_dma source(%dma_start3A_144 : memref<128x128xf32, #tpu.memory_space<vmem>>) target(%dma_start3A_150 : memref<2048x128xf32, #tpu.memory_space<vmem_shared>>) offsets(%dma_start3A_147 : memref<128xi32, #tpu.memory_space<vmem>>) semaphore(%arg19 : memref<!tpu.dma_semaphore, #tpu.memory_space<semaphore_mem>>) {add = true}
    %dma_wait3A_151 = arith.constant 0 : i32
    %dma_wait3A_152 = arith.constant 0 : i32
    %dma_wait3A_153 = arith.constant 0 : i32
    %dma_wait3A_154 = arith.constant 0 : i32
    %dma_wait3A_155 = tpu.memref_slice %arg9[%dma_wait3A_151, %dma_wait3A_153, %dma_wait3A_154] : memref<6x128x128xf32, #tpu.memory_space<vmem>> -> memref<1x128x128xf32, #tpu.memory_space<vmem>>
    %dma_wait3A_156 = tpu.memref_squeeze %dma_wait3A_155 : memref<1x128x128xf32, #tpu.memory_space<vmem>> -> memref<128x128xf32, #tpu.memory_space<vmem>>
    %dma_wait3A_157 = arith.constant 0 : i32
    %dma_wait3A_158 = tpu.memref_slice %arg8[%dma_wait3A_152, %dma_wait3A_157] : memref<16x128xi32, #tpu.memory_space<vmem>> -> memref<1x128xi32, #tpu.memory_space<vmem>>
    %dma_wait3A_159 = tpu.memref_squeeze %dma_wait3A_158 : memref<1x128xi32, #tpu.memory_space<vmem>> -> memref<128xi32, #tpu.memory_space<vmem>>
    %dma_wait3A_160 = arith.constant 0 : i32
    %dma_wait3A_161 = arith.constant 0 : i32
    %dma_wait3A_162 = tpu.memref_slice %arg10[%dma_wait3A_160, %dma_wait3A_161] : memref<2048x128xf32, #tpu.memory_space<vmem_shared>> -> memref<2048x128xf32, #tpu.memory_space<vmem_shared>>
    tpu.wait_indirect_dma semaphore(%arg17 : memref<!tpu.dma_semaphore, #tpu.memory_space<semaphore_mem>>) src(%dma_wait3A_156 : memref<128x128xf32, #tpu.memory_space<vmem>>) dst(%dma_wait3A_162 : memref<2048x128xf32, #tpu.memory_space<vmem_shared>>)
    %dma_start3A_163 = arith.constant 6 : i32
    %dma_start3A_164 = arith.constant 0 : i32
    %dma_start3A_165 = arith.constant 0 : i32
    %dma_start3A_166 = arith.constant 0 : i32
    %dma_start3A_167 = tpu.memref_slice %arg9[%dma_start3A_164, %dma_start3A_165, %dma_start3A_166] : memref<6x128x128xf32, #tpu.memory_space<vmem>> -> memref<1x128x128xf32, #tpu.memory_space<vmem>>
    %dma_start3A_168 = tpu.memref_squeeze %dma_start3A_167 : memref<1x128x128xf32, #tpu.memory_space<vmem>> -> memref<128x128xf32, #tpu.memory_space<vmem>>
    %dma_start3A_169 = arith.constant 0 : i32
    %dma_start3A_170 = tpu.memref_slice %arg7[%dma_start3A_163, %dma_start3A_169] : memref<16x128xi32, #tpu.memory_space<vmem>> -> memref<1x128xi32, #tpu.memory_space<vmem>>
    %dma_start3A_171 = tpu.memref_squeeze %dma_start3A_170 : memref<1x128xi32, #tpu.memory_space<vmem>> -> memref<128xi32, #tpu.memory_space<vmem>>
    %dma_start3A_172 = arith.constant 0 : i32
    %dma_start3A_173 = arith.constant 0 : i32
    %dma_start3A_174 = tpu.memref_slice %arg4[%dma_start3A_172, %dma_start3A_173] : memref<2048x128xf32, #tpu.memory_space<hbm>> -> memref<2048x128xf32, #tpu.memory_space<hbm>>
    tpu.enqueue_indirect_dma source(%dma_start3A_174 : memref<2048x128xf32, #tpu.memory_space<hbm>>) target(%dma_start3A_168 : memref<128x128xf32, #tpu.memory_space<vmem>>) offsets(%dma_start3A_171 : memref<128xi32, #tpu.memory_space<vmem>>) semaphore(%arg11 : memref<!tpu.dma_semaphore, #tpu.memory_space<semaphore_mem>>)
    %dma_wait3A_175 = arith.constant 3 : i32
    %dma_wait3A_176 = arith.constant 3 : i32
    %dma_wait3A_177 = arith.constant 0 : i32
    %dma_wait3A_178 = arith.constant 0 : i32
    %dma_wait3A_179 = tpu.memref_slice %arg9[%dma_wait3A_176, %dma_wait3A_177, %dma_wait3A_178] : memref<6x128x128xf32, #tpu.memory_space<vmem>> -> memref<1x128x128xf32, #tpu.memory_space<vmem>>
    %dma_wait3A_180 = tpu.memref_squeeze %dma_wait3A_179 : memref<1x128x128xf32, #tpu.memory_space<vmem>> -> memref<128x128xf32, #tpu.memory_space<vmem>>
    %dma_wait3A_181 = arith.constant 0 : i32
    %dma_wait3A_182 = tpu.memref_slice %arg7[%dma_wait3A_175, %dma_wait3A_181] : memref<16x128xi32, #tpu.memory_space<vmem>> -> memref<1x128xi32, #tpu.memory_space<vmem>>
    %dma_wait3A_183 = tpu.memref_squeeze %dma_wait3A_182 : memref<1x128xi32, #tpu.memory_space<vmem>> -> memref<128xi32, #tpu.memory_space<vmem>>
    %dma_wait3A_184 = arith.constant 0 : i32
    %dma_wait3A_185 = arith.constant 0 : i32
    %dma_wait3A_186 = tpu.memref_slice %arg4[%dma_wait3A_184, %dma_wait3A_185] : memref<2048x128xf32, #tpu.memory_space<hbm>> -> memref<2048x128xf32, #tpu.memory_space<hbm>>
    tpu.wait_indirect_dma semaphore(%arg14 : memref<!tpu.dma_semaphore, #tpu.memory_space<semaphore_mem>>) src(%dma_wait3A_186 : memref<2048x128xf32, #tpu.memory_space<hbm>>) dst(%dma_wait3A_180 : memref<128x128xf32, #tpu.memory_space<vmem>>)
    %dma_start3A_187 = arith.constant 3 : i32
    %dma_start3A_188 = arith.constant 3 : i32
    %dma_start3A_189 = arith.constant 0 : i32
    %dma_start3A_190 = arith.constant 0 : i32
    %dma_start3A_191 = tpu.memref_slice %arg9[%dma_start3A_187, %dma_start3A_189, %dma_start3A_190] : memref<6x128x128xf32, #tpu.memory_space<vmem>> -> memref<1x128x128xf32, #tpu.memory_space<vmem>>
    %dma_start3A_192 = tpu.memref_squeeze %dma_start3A_191 : memref<1x128x128xf32, #tpu.memory_space<vmem>> -> memref<128x128xf32, #tpu.memory_space<vmem>>
    %dma_start3A_193 = arith.constant 0 : i32
    %dma_start3A_194 = tpu.memref_slice %arg8[%dma_start3A_188, %dma_start3A_193] : memref<16x128xi32, #tpu.memory_space<vmem>> -> memref<1x128xi32, #tpu.memory_space<vmem>>
    %dma_start3A_195 = tpu.memref_squeeze %dma_start3A_194 : memref<1x128xi32, #tpu.memory_space<vmem>> -> memref<128xi32, #tpu.memory_space<vmem>>
    %dma_start3A_196 = arith.constant 0 : i32
    %dma_start3A_197 = arith.constant 0 : i32
    %dma_start3A_198 = tpu.memref_slice %arg10[%dma_start3A_196, %dma_start3A_197] : memref<2048x128xf32, #tpu.memory_space<vmem_shared>> -> memref<2048x128xf32, #tpu.memory_space<vmem_shared>>
    tpu.enqueue_indirect_dma source(%dma_start3A_192 : memref<128x128xf32, #tpu.memory_space<vmem>>) target(%dma_start3A_198 : memref<2048x128xf32, #tpu.memory_space<vmem_shared>>) offsets(%dma_start3A_195 : memref<128xi32, #tpu.memory_space<vmem>>) semaphore(%arg20 : memref<!tpu.dma_semaphore, #tpu.memory_space<semaphore_mem>>) {add = true}
    %dma_wait3A_199 = arith.constant 1 : i32
    %dma_wait3A_200 = arith.constant 1 : i32
    %dma_wait3A_201 = arith.constant 0 : i32
    %dma_wait3A_202 = arith.constant 0 : i32
    %dma_wait3A_203 = tpu.memref_slice %arg9[%dma_wait3A_199, %dma_wait3A_201, %dma_wait3A_202] : memref<6x128x128xf32, #tpu.memory_space<vmem>> -> memref<1x128x128xf32, #tpu.memory_space<vmem>>
    %dma_wait3A_204 = tpu.memref_squeeze %dma_wait3A_203 : memref<1x128x128xf32, #tpu.memory_space<vmem>> -> memref<128x128xf32, #tpu.memory_space<vmem>>
    %dma_wait3A_205 = arith.constant 0 : i32
    %dma_wait3A_206 = tpu.memref_slice %arg8[%dma_wait3A_200, %dma_wait3A_205] : memref<16x128xi32, #tpu.memory_space<vmem>> -> memref<1x128xi32, #tpu.memory_space<vmem>>
    %dma_wait3A_207 = tpu.memref_squeeze %dma_wait3A_206 : memref<1x128xi32, #tpu.memory_space<vmem>> -> memref<128xi32, #tpu.memory_space<vmem>>
    %dma_wait3A_208 = arith.constant 0 : i32
    %dma_wait3A_209 = arith.constant 0 : i32
    %dma_wait3A_210 = tpu.memref_slice %arg10[%dma_wait3A_208, %dma_wait3A_209] : memref<2048x128xf32, #tpu.memory_space<vmem_shared>> -> memref<2048x128xf32, #tpu.memory_space<vmem_shared>>
    tpu.wait_indirect_dma semaphore(%arg18 : memref<!tpu.dma_semaphore, #tpu.memory_space<semaphore_mem>>) src(%dma_wait3A_204 : memref<128x128xf32, #tpu.memory_space<vmem>>) dst(%dma_wait3A_210 : memref<2048x128xf32, #tpu.memory_space<vmem_shared>>)
    %dma_start3A_211 = arith.constant 7 : i32
    %dma_start3A_212 = arith.constant 1 : i32
    %dma_start3A_213 = arith.constant 0 : i32
    %dma_start3A_214 = arith.constant 0 : i32
    %dma_start3A_215 = tpu.memref_slice %arg9[%dma_start3A_212, %dma_start3A_213, %dma_start3A_214] : memref<6x128x128xf32, #tpu.memory_space<vmem>> -> memref<1x128x128xf32, #tpu.memory_space<vmem>>
    %dma_start3A_216 = tpu.memref_squeeze %dma_start3A_215 : memref<1x128x128xf32, #tpu.memory_space<vmem>> -> memref<128x128xf32, #tpu.memory_space<vmem>>
    %dma_start3A_217 = arith.constant 0 : i32
    %dma_start3A_218 = tpu.memref_slice %arg7[%dma_start3A_211, %dma_start3A_217] : memref<16x128xi32, #tpu.memory_space<vmem>> -> memref<1x128xi32, #tpu.memory_space<vmem>>
    %dma_start3A_219 = tpu.memref_squeeze %dma_start3A_218 : memref<1x128xi32, #tpu.memory_space<vmem>> -> memref<128xi32, #tpu.memory_space<vmem>>
    %dma_start3A_220 = arith.constant 0 : i32
    %dma_start3A_221 = arith.constant 0 : i32
    %dma_start3A_222 = tpu.memref_slice %arg4[%dma_start3A_220, %dma_start3A_221] : memref<2048x128xf32, #tpu.memory_space<hbm>> -> memref<2048x128xf32, #tpu.memory_space<hbm>>
    tpu.enqueue_indirect_dma source(%dma_start3A_222 : memref<2048x128xf32, #tpu.memory_space<hbm>>) target(%dma_start3A_216 : memref<128x128xf32, #tpu.memory_space<vmem>>) offsets(%dma_start3A_219 : memref<128xi32, #tpu.memory_space<vmem>>) semaphore(%arg12 : memref<!tpu.dma_semaphore, #tpu.memory_space<semaphore_mem>>)
    %dma_wait3A_223 = arith.constant 4 : i32
    %dma_wait3A_224 = arith.constant 4 : i32
    %dma_wait3A_225 = arith.constant 0 : i32
    %dma_wait3A_226 = arith.constant 0 : i32
    %dma_wait3A_227 = tpu.memref_slice %arg9[%dma_wait3A_224, %dma_wait3A_225, %dma_wait3A_226] : memref<6x128x128xf32, #tpu.memory_space<vmem>> -> memref<1x128x128xf32, #tpu.memory_space<vmem>>
    %dma_wait3A_228 = tpu.memref_squeeze %dma_wait3A_227 : memref<1x128x128xf32, #tpu.memory_space<vmem>> -> memref<128x128xf32, #tpu.memory_space<vmem>>
    %dma_wait3A_229 = arith.constant 0 : i32
    %dma_wait3A_230 = tpu.memref_slice %arg7[%dma_wait3A_223, %dma_wait3A_229] : memref<16x128xi32, #tpu.memory_space<vmem>> -> memref<1x128xi32, #tpu.memory_space<vmem>>
    %dma_wait3A_231 = tpu.memref_squeeze %dma_wait3A_230 : memref<1x128xi32, #tpu.memory_space<vmem>> -> memref<128xi32, #tpu.memory_space<vmem>>
    %dma_wait3A_232 = arith.constant 0 : i32
    %dma_wait3A_233 = arith.constant 0 : i32
    %dma_wait3A_234 = tpu.memref_slice %arg4[%dma_wait3A_232, %dma_wait3A_233] : memref<2048x128xf32, #tpu.memory_space<hbm>> -> memref<2048x128xf32, #tpu.memory_space<hbm>>
    tpu.wait_indirect_dma semaphore(%arg15 : memref<!tpu.dma_semaphore, #tpu.memory_space<semaphore_mem>>) src(%dma_wait3A_234 : memref<2048x128xf32, #tpu.memory_space<hbm>>) dst(%dma_wait3A_228 : memref<128x128xf32, #tpu.memory_space<vmem>>)
    %dma_start3A_235 = arith.constant 4 : i32
    %dma_start3A_236 = arith.constant 4 : i32
    %dma_start3A_237 = arith.constant 0 : i32
    %dma_start3A_238 = arith.constant 0 : i32
    %dma_start3A_239 = tpu.memref_slice %arg9[%dma_start3A_235, %dma_start3A_237, %dma_start3A_238] : memref<6x128x128xf32, #tpu.memory_space<vmem>> -> memref<1x128x128xf32, #tpu.memory_space<vmem>>
    %dma_start3A_240 = tpu.memref_squeeze %dma_start3A_239 : memref<1x128x128xf32, #tpu.memory_space<vmem>> -> memref<128x128xf32, #tpu.memory_space<vmem>>
    %dma_start3A_241 = arith.constant 0 : i32
    %dma_start3A_242 = tpu.memref_slice %arg8[%dma_start3A_236, %dma_start3A_241] : memref<16x128xi32, #tpu.memory_space<vmem>> -> memref<1x128xi32, #tpu.memory_space<vmem>>
    %dma_start3A_243 = tpu.memref_squeeze %dma_start3A_242 : memref<1x128xi32, #tpu.memory_space<vmem>> -> memref<128xi32, #tpu.memory_space<vmem>>
    %dma_start3A_244 = arith.constant 0 : i32
    %dma_start3A_245 = arith.constant 0 : i32
    %dma_start3A_246 = tpu.memref_slice %arg10[%dma_start3A_244, %dma_start3A_245] : memref<2048x128xf32, #tpu.memory_space<vmem_shared>> -> memref<2048x128xf32, #tpu.memory_space<vmem_shared>>
    tpu.enqueue_indirect_dma source(%dma_start3A_240 : memref<128x128xf32, #tpu.memory_space<vmem>>) target(%dma_start3A_246 : memref<2048x128xf32, #tpu.memory_space<vmem_shared>>) offsets(%dma_start3A_243 : memref<128xi32, #tpu.memory_space<vmem>>) semaphore(%arg21 : memref<!tpu.dma_semaphore, #tpu.memory_space<semaphore_mem>>) {add = true}
    %dma_wait3A_247 = arith.constant 2 : i32
    %dma_wait3A_248 = arith.constant 2 : i32
    %dma_wait3A_249 = arith.constant 0 : i32
    %dma_wait3A_250 = arith.constant 0 : i32
    %dma_wait3A_251 = tpu.memref_slice %arg9[%dma_wait3A_247, %dma_wait3A_249, %dma_wait3A_250] : memref<6x128x128xf32, #tpu.memory_space<vmem>> -> memref<1x128x128xf32, #tpu.memory_space<vmem>>
    %dma_wait3A_252 = tpu.memref_squeeze %dma_wait3A_251 : memref<1x128x128xf32, #tpu.memory_space<vmem>> -> memref<128x128xf32, #tpu.memory_space<vmem>>
    %dma_wait3A_253 = arith.constant 0 : i32
    %dma_wait3A_254 = tpu.memref_slice %arg8[%dma_wait3A_248, %dma_wait3A_253] : memref<16x128xi32, #tpu.memory_space<vmem>> -> memref<1x128xi32, #tpu.memory_space<vmem>>
    %dma_wait3A_255 = tpu.memref_squeeze %dma_wait3A_254 : memref<1x128xi32, #tpu.memory_space<vmem>> -> memref<128xi32, #tpu.memory_space<vmem>>
    %dma_wait3A_256 = arith.constant 0 : i32
    %dma_wait3A_257 = arith.constant 0 : i32
    %dma_wait3A_258 = tpu.memref_slice %arg10[%dma_wait3A_256, %dma_wait3A_257] : memref<2048x128xf32, #tpu.memory_space<vmem_shared>> -> memref<2048x128xf32, #tpu.memory_space<vmem_shared>>
    tpu.wait_indirect_dma semaphore(%arg19 : memref<!tpu.dma_semaphore, #tpu.memory_space<semaphore_mem>>) src(%dma_wait3A_252 : memref<128x128xf32, #tpu.memory_space<vmem>>) dst(%dma_wait3A_258 : memref<2048x128xf32, #tpu.memory_space<vmem_shared>>)
    %dma_start3A_259 = arith.constant 8 : i32
    %dma_start3A_260 = arith.constant 2 : i32
    %dma_start3A_261 = arith.constant 0 : i32
    %dma_start3A_262 = arith.constant 0 : i32
    %dma_start3A_263 = tpu.memref_slice %arg9[%dma_start3A_260, %dma_start3A_261, %dma_start3A_262] : memref<6x128x128xf32, #tpu.memory_space<vmem>> -> memref<1x128x128xf32, #tpu.memory_space<vmem>>
    %dma_start3A_264 = tpu.memref_squeeze %dma_start3A_263 : memref<1x128x128xf32, #tpu.memory_space<vmem>> -> memref<128x128xf32, #tpu.memory_space<vmem>>
    %dma_start3A_265 = arith.constant 0 : i32
    %dma_start3A_266 = tpu.memref_slice %arg7[%dma_start3A_259, %dma_start3A_265] : memref<16x128xi32, #tpu.memory_space<vmem>> -> memref<1x128xi32, #tpu.memory_space<vmem>>
    %dma_start3A_267 = tpu.memref_squeeze %dma_start3A_266 : memref<1x128xi32, #tpu.memory_space<vmem>> -> memref<128xi32, #tpu.memory_space<vmem>>
    %dma_start3A_268 = arith.constant 0 : i32
    %dma_start3A_269 = arith.constant 0 : i32
    %dma_start3A_270 = tpu.memref_slice %arg4[%dma_start3A_268, %dma_start3A_269] : memref<2048x128xf32, #tpu.memory_space<hbm>> -> memref<2048x128xf32, #tpu.memory_space<hbm>>
    tpu.enqueue_indirect_dma source(%dma_start3A_270 : memref<2048x128xf32, #tpu.memory_space<hbm>>) target(%dma_start3A_264 : memref<128x128xf32, #tpu.memory_space<vmem>>) offsets(%dma_start3A_267 : memref<128xi32, #tpu.memory_space<vmem>>) semaphore(%arg13 : memref<!tpu.dma_semaphore, #tpu.memory_space<semaphore_mem>>)
    %dma_wait3A_271 = arith.constant 5 : i32
    %dma_wait3A_272 = arith.constant 5 : i32
    %dma_wait3A_273 = arith.constant 0 : i32
    %dma_wait3A_274 = arith.constant 0 : i32
    %dma_wait3A_275 = tpu.memref_slice %arg9[%dma_wait3A_272, %dma_wait3A_273, %dma_wait3A_274] : memref<6x128x128xf32, #tpu.memory_space<vmem>> -> memref<1x128x128xf32, #tpu.memory_space<vmem>>
    %dma_wait3A_276 = tpu.memref_squeeze %dma_wait3A_275 : memref<1x128x128xf32, #tpu.memory_space<vmem>> -> memref<128x128xf32, #tpu.memory_space<vmem>>
    %dma_wait3A_277 = arith.constant 0 : i32
    %dma_wait3A_278 = tpu.memref_slice %arg7[%dma_wait3A_271, %dma_wait3A_277] : memref<16x128xi32, #tpu.memory_space<vmem>> -> memref<1x128xi32, #tpu.memory_space<vmem>>
    %dma_wait3A_279 = tpu.memref_squeeze %dma_wait3A_278 : memref<1x128xi32, #tpu.memory_space<vmem>> -> memref<128xi32, #tpu.memory_space<vmem>>
    %dma_wait3A_280 = arith.constant 0 : i32
    %dma_wait3A_281 = arith.constant 0 : i32
    %dma_wait3A_282 = tpu.memref_slice %arg4[%dma_wait3A_280, %dma_wait3A_281] : memref<2048x128xf32, #tpu.memory_space<hbm>> -> memref<2048x128xf32, #tpu.memory_space<hbm>>
    tpu.wait_indirect_dma semaphore(%arg16 : memref<!tpu.dma_semaphore, #tpu.memory_space<semaphore_mem>>) src(%dma_wait3A_282 : memref<2048x128xf32, #tpu.memory_space<hbm>>) dst(%dma_wait3A_276 : memref<128x128xf32, #tpu.memory_space<vmem>>)
    %dma_start3A_283 = arith.constant 5 : i32
    %dma_start3A_284 = arith.constant 5 : i32
    %dma_start3A_285 = arith.constant 0 : i32
    %dma_start3A_286 = arith.constant 0 : i32
    %dma_start3A_287 = tpu.memref_slice %arg9[%dma_start3A_283, %dma_start3A_285, %dma_start3A_286] : memref<6x128x128xf32, #tpu.memory_space<vmem>> -> memref<1x128x128xf32, #tpu.memory_space<vmem>>
    %dma_start3A_288 = tpu.memref_squeeze %dma_start3A_287 : memref<1x128x128xf32, #tpu.memory_space<vmem>> -> memref<128x128xf32, #tpu.memory_space<vmem>>
    %dma_start3A_289 = arith.constant 0 : i32
    %dma_start3A_290 = tpu.memref_slice %arg8[%dma_start3A_284, %dma_start3A_289] : memref<16x128xi32, #tpu.memory_space<vmem>> -> memref<1x128xi32, #tpu.memory_space<vmem>>
    %dma_start3A_291 = tpu.memref_squeeze %dma_start3A_290 : memref<1x128xi32, #tpu.memory_space<vmem>> -> memref<128xi32, #tpu.memory_space<vmem>>
    %dma_start3A_292 = arith.constant 0 : i32
    %dma_start3A_293 = arith.constant 0 : i32
    %dma_start3A_294 = tpu.memref_slice %arg10[%dma_start3A_292, %dma_start3A_293] : memref<2048x128xf32, #tpu.memory_space<vmem_shared>> -> memref<2048x128xf32, #tpu.memory_space<vmem_shared>>
    tpu.enqueue_indirect_dma source(%dma_start3A_288 : memref<128x128xf32, #tpu.memory_space<vmem>>) target(%dma_start3A_294 : memref<2048x128xf32, #tpu.memory_space<vmem_shared>>) offsets(%dma_start3A_291 : memref<128xi32, #tpu.memory_space<vmem>>) semaphore(%arg22 : memref<!tpu.dma_semaphore, #tpu.memory_space<semaphore_mem>>) {add = true}
    %dma_wait3A_295 = arith.constant 3 : i32
    %dma_wait3A_296 = arith.constant 3 : i32
    %dma_wait3A_297 = arith.constant 0 : i32
    %dma_wait3A_298 = arith.constant 0 : i32
    %dma_wait3A_299 = tpu.memref_slice %arg9[%dma_wait3A_295, %dma_wait3A_297, %dma_wait3A_298] : memref<6x128x128xf32, #tpu.memory_space<vmem>> -> memref<1x128x128xf32, #tpu.memory_space<vmem>>
    %dma_wait3A_300 = tpu.memref_squeeze %dma_wait3A_299 : memref<1x128x128xf32, #tpu.memory_space<vmem>> -> memref<128x128xf32, #tpu.memory_space<vmem>>
    %dma_wait3A_301 = arith.constant 0 : i32
    %dma_wait3A_302 = tpu.memref_slice %arg8[%dma_wait3A_296, %dma_wait3A_301] : memref<16x128xi32, #tpu.memory_space<vmem>> -> memref<1x128xi32, #tpu.memory_space<vmem>>
    %dma_wait3A_303 = tpu.memref_squeeze %dma_wait3A_302 : memref<1x128xi32, #tpu.memory_space<vmem>> -> memref<128xi32, #tpu.memory_space<vmem>>
    %dma_wait3A_304 = arith.constant 0 : i32
    %dma_wait3A_305 = arith.constant 0 : i32
    %dma_wait3A_306 = tpu.memref_slice %arg10[%dma_wait3A_304, %dma_wait3A_305] : memref<2048x128xf32, #tpu.memory_space<vmem_shared>> -> memref<2048x128xf32, #tpu.memory_space<vmem_shared>>
    tpu.wait_indirect_dma semaphore(%arg20 : memref<!tpu.dma_semaphore, #tpu.memory_space<semaphore_mem>>) src(%dma_wait3A_300 : memref<128x128xf32, #tpu.memory_space<vmem>>) dst(%dma_wait3A_306 : memref<2048x128xf32, #tpu.memory_space<vmem_shared>>)
    %dma_start3A_307 = arith.constant 9 : i32
    %dma_start3A_308 = arith.constant 3 : i32
    %dma_start3A_309 = arith.constant 0 : i32
    %dma_start3A_310 = arith.constant 0 : i32
    %dma_start3A_311 = tpu.memref_slice %arg9[%dma_start3A_308, %dma_start3A_309, %dma_start3A_310] : memref<6x128x128xf32, #tpu.memory_space<vmem>> -> memref<1x128x128xf32, #tpu.memory_space<vmem>>
    %dma_start3A_312 = tpu.memref_squeeze %dma_start3A_311 : memref<1x128x128xf32, #tpu.memory_space<vmem>> -> memref<128x128xf32, #tpu.memory_space<vmem>>
    %dma_start3A_313 = arith.constant 0 : i32
    %dma_start3A_314 = tpu.memref_slice %arg7[%dma_start3A_307, %dma_start3A_313] : memref<16x128xi32, #tpu.memory_space<vmem>> -> memref<1x128xi32, #tpu.memory_space<vmem>>
    %dma_start3A_315 = tpu.memref_squeeze %dma_start3A_314 : memref<1x128xi32, #tpu.memory_space<vmem>> -> memref<128xi32, #tpu.memory_space<vmem>>
    %dma_start3A_316 = arith.constant 0 : i32
    %dma_start3A_317 = arith.constant 0 : i32
    %dma_start3A_318 = tpu.memref_slice %arg4[%dma_start3A_316, %dma_start3A_317] : memref<2048x128xf32, #tpu.memory_space<hbm>> -> memref<2048x128xf32, #tpu.memory_space<hbm>>
    tpu.enqueue_indirect_dma source(%dma_start3A_318 : memref<2048x128xf32, #tpu.memory_space<hbm>>) target(%dma_start3A_312 : memref<128x128xf32, #tpu.memory_space<vmem>>) offsets(%dma_start3A_315 : memref<128xi32, #tpu.memory_space<vmem>>) semaphore(%arg14 : memref<!tpu.dma_semaphore, #tpu.memory_space<semaphore_mem>>)
    %dma_wait3A_319 = arith.constant 6 : i32
    %dma_wait3A_320 = arith.constant 0 : i32
    %dma_wait3A_321 = arith.constant 0 : i32
    %dma_wait3A_322 = arith.constant 0 : i32
    %dma_wait3A_323 = tpu.memref_slice %arg9[%dma_wait3A_320, %dma_wait3A_321, %dma_wait3A_322] : memref<6x128x128xf32, #tpu.memory_space<vmem>> -> memref<1x128x128xf32, #tpu.memory_space<vmem>>
    %dma_wait3A_324 = tpu.memref_squeeze %dma_wait3A_323 : memref<1x128x128xf32, #tpu.memory_space<vmem>> -> memref<128x128xf32, #tpu.memory_space<vmem>>
    %dma_wait3A_325 = arith.constant 0 : i32
    %dma_wait3A_326 = tpu.memref_slice %arg7[%dma_wait3A_319, %dma_wait3A_325] : memref<16x128xi32, #tpu.memory_space<vmem>> -> memref<1x128xi32, #tpu.memory_space<vmem>>
    %dma_wait3A_327 = tpu.memref_squeeze %dma_wait3A_326 : memref<1x128xi32, #tpu.memory_space<vmem>> -> memref<128xi32, #tpu.memory_space<vmem>>
    %dma_wait3A_328 = arith.constant 0 : i32
    %dma_wait3A_329 = arith.constant 0 : i32
    %dma_wait3A_330 = tpu.memref_slice %arg4[%dma_wait3A_328, %dma_wait3A_329] : memref<2048x128xf32, #tpu.memory_space<hbm>> -> memref<2048x128xf32, #tpu.memory_space<hbm>>
    tpu.wait_indirect_dma semaphore(%arg11 : memref<!tpu.dma_semaphore, #tpu.memory_space<semaphore_mem>>) src(%dma_wait3A_330 : memref<2048x128xf32, #tpu.memory_space<hbm>>) dst(%dma_wait3A_324 : memref<128x128xf32, #tpu.memory_space<vmem>>)
    %dma_start3A_331 = arith.constant 0 : i32
    %dma_start3A_332 = arith.constant 6 : i32
    %dma_start3A_333 = arith.constant 0 : i32
    %dma_start3A_334 = arith.constant 0 : i32
    %dma_start3A_335 = tpu.memref_slice %arg9[%dma_start3A_331, %dma_start3A_333, %dma_start3A_334] : memref<6x128x128xf32, #tpu.memory_space<vmem>> -> memref<1x128x128xf32, #tpu.memory_space<vmem>>
    %dma_start3A_336 = tpu.memref_squeeze %dma_start3A_335 : memref<1x128x128xf32, #tpu.memory_space<vmem>> -> memref<128x128xf32, #tpu.memory_space<vmem>>
    %dma_start3A_337 = arith.constant 0 : i32
    %dma_start3A_338 = tpu.memref_slice %arg8[%dma_start3A_332, %dma_start3A_337] : memref<16x128xi32, #tpu.memory_space<vmem>> -> memref<1x128xi32, #tpu.memory_space<vmem>>
    %dma_start3A_339 = tpu.memref_squeeze %dma_start3A_338 : memref<1x128xi32, #tpu.memory_space<vmem>> -> memref<128xi32, #tpu.memory_space<vmem>>
    %dma_start3A_340 = arith.constant 0 : i32
    %dma_start3A_341 = arith.constant 0 : i32
    %dma_start3A_342 = tpu.memref_slice %arg10[%dma_start3A_340, %dma_start3A_341] : memref<2048x128xf32, #tpu.memory_space<vmem_shared>> -> memref<2048x128xf32, #tpu.memory_space<vmem_shared>>
    tpu.enqueue_indirect_dma source(%dma_start3A_336 : memref<128x128xf32, #tpu.memory_space<vmem>>) target(%dma_start3A_342 : memref<2048x128xf32, #tpu.memory_space<vmem_shared>>) offsets(%dma_start3A_339 : memref<128xi32, #tpu.memory_space<vmem>>) semaphore(%arg17 : memref<!tpu.dma_semaphore, #tpu.memory_space<semaphore_mem>>) {add = true}
    %dma_wait3A_343 = arith.constant 4 : i32
    %dma_wait3A_344 = arith.constant 4 : i32
    %dma_wait3A_345 = arith.constant 0 : i32
    %dma_wait3A_346 = arith.constant 0 : i32
    %dma_wait3A_347 = tpu.memref_slice %arg9[%dma_wait3A_343, %dma_wait3A_345, %dma_wait3A_346] : memref<6x128x128xf32, #tpu.memory_space<vmem>> -> memref<1x128x128xf32, #tpu.memory_space<vmem>>
    %dma_wait3A_348 = tpu.memref_squeeze %dma_wait3A_347 : memref<1x128x128xf32, #tpu.memory_space<vmem>> -> memref<128x128xf32, #tpu.memory_space<vmem>>
    %dma_wait3A_349 = arith.constant 0 : i32
    %dma_wait3A_350 = tpu.memref_slice %arg8[%dma_wait3A_344, %dma_wait3A_349] : memref<16x128xi32, #tpu.memory_space<vmem>> -> memref<1x128xi32, #tpu.memory_space<vmem>>
    %dma_wait3A_351 = tpu.memref_squeeze %dma_wait3A_350 : memref<1x128xi32, #tpu.memory_space<vmem>> -> memref<128xi32, #tpu.memory_space<vmem>>
    %dma_wait3A_352 = arith.constant 0 : i32
    %dma_wait3A_353 = arith.constant 0 : i32
    %dma_wait3A_354 = tpu.memref_slice %arg10[%dma_wait3A_352, %dma_wait3A_353] : memref<2048x128xf32, #tpu.memory_space<vmem_shared>> -> memref<2048x128xf32, #tpu.memory_space<vmem_shared>>
    tpu.wait_indirect_dma semaphore(%arg21 : memref<!tpu.dma_semaphore, #tpu.memory_space<semaphore_mem>>) src(%dma_wait3A_348 : memref<128x128xf32, #tpu.memory_space<vmem>>) dst(%dma_wait3A_354 : memref<2048x128xf32, #tpu.memory_space<vmem_shared>>)
    %dma_start3A_355 = arith.constant 10 : i32
    %dma_start3A_356 = arith.constant 4 : i32
    %dma_start3A_357 = arith.constant 0 : i32
    %dma_start3A_358 = arith.constant 0 : i32
    %dma_start3A_359 = tpu.memref_slice %arg9[%dma_start3A_356, %dma_start3A_357, %dma_start3A_358] : memref<6x128x128xf32, #tpu.memory_space<vmem>> -> memref<1x128x128xf32, #tpu.memory_space<vmem>>
    %dma_start3A_360 = tpu.memref_squeeze %dma_start3A_359 : memref<1x128x128xf32, #tpu.memory_space<vmem>> -> memref<128x128xf32, #tpu.memory_space<vmem>>
    %dma_start3A_361 = arith.constant 0 : i32
    %dma_start3A_362 = tpu.memref_slice %arg7[%dma_start3A_355, %dma_start3A_361] : memref<16x128xi32, #tpu.memory_space<vmem>> -> memref<1x128xi32, #tpu.memory_space<vmem>>
    %dma_start3A_363 = tpu.memref_squeeze %dma_start3A_362 : memref<1x128xi32, #tpu.memory_space<vmem>> -> memref<128xi32, #tpu.memory_space<vmem>>
    %dma_start3A_364 = arith.constant 0 : i32
    %dma_start3A_365 = arith.constant 0 : i32
    %dma_start3A_366 = tpu.memref_slice %arg4[%dma_start3A_364, %dma_start3A_365] : memref<2048x128xf32, #tpu.memory_space<hbm>> -> memref<2048x128xf32, #tpu.memory_space<hbm>>
    tpu.enqueue_indirect_dma source(%dma_start3A_366 : memref<2048x128xf32, #tpu.memory_space<hbm>>) target(%dma_start3A_360 : memref<128x128xf32, #tpu.memory_space<vmem>>) offsets(%dma_start3A_363 : memref<128xi32, #tpu.memory_space<vmem>>) semaphore(%arg15 : memref<!tpu.dma_semaphore, #tpu.memory_space<semaphore_mem>>)
    %dma_wait3A_367 = arith.constant 7 : i32
    %dma_wait3A_368 = arith.constant 1 : i32
    %dma_wait3A_369 = arith.constant 0 : i32
    %dma_wait3A_370 = arith.constant 0 : i32
    %dma_wait3A_371 = tpu.memref_slice %arg9[%dma_wait3A_368, %dma_wait3A_369, %dma_wait3A_370] : memref<6x128x128xf32, #tpu.memory_space<vmem>> -> memref<1x128x128xf32, #tpu.memory_space<vmem>>
    %dma_wait3A_372 = tpu.memref_squeeze %dma_wait3A_371 : memref<1x128x128xf32, #tpu.memory_space<vmem>> -> memref<128x128xf32, #tpu.memory_space<vmem>>
    %dma_wait3A_373 = arith.constant 0 : i32
    %dma_wait3A_374 = tpu.memref_slice %arg7[%dma_wait3A_367, %dma_wait3A_373] : memref<16x128xi32, #tpu.memory_space<vmem>> -> memref<1x128xi32, #tpu.memory_space<vmem>>
    %dma_wait3A_375 = tpu.memref_squeeze %dma_wait3A_374 : memref<1x128xi32, #tpu.memory_space<vmem>> -> memref<128xi32, #tpu.memory_space<vmem>>
    %dma_wait3A_376 = arith.constant 0 : i32
    %dma_wait3A_377 = arith.constant 0 : i32
    %dma_wait3A_378 = tpu.memref_slice %arg4[%dma_wait3A_376, %dma_wait3A_377] : memref<2048x128xf32, #tpu.memory_space<hbm>> -> memref<2048x128xf32, #tpu.memory_space<hbm>>
    tpu.wait_indirect_dma semaphore(%arg12 : memref<!tpu.dma_semaphore, #tpu.memory_space<semaphore_mem>>) src(%dma_wait3A_378 : memref<2048x128xf32, #tpu.memory_space<hbm>>) dst(%dma_wait3A_372 : memref<128x128xf32, #tpu.memory_space<vmem>>)
    %dma_start3A_379 = arith.constant 1 : i32
    %dma_start3A_380 = arith.constant 7 : i32
    %dma_start3A_381 = arith.constant 0 : i32
    %dma_start3A_382 = arith.constant 0 : i32
    %dma_start3A_383 = tpu.memref_slice %arg9[%dma_start3A_379, %dma_start3A_381, %dma_start3A_382] : memref<6x128x128xf32, #tpu.memory_space<vmem>> -> memref<1x128x128xf32, #tpu.memory_space<vmem>>
    %dma_start3A_384 = tpu.memref_squeeze %dma_start3A_383 : memref<1x128x128xf32, #tpu.memory_space<vmem>> -> memref<128x128xf32, #tpu.memory_space<vmem>>
    %dma_start3A_385 = arith.constant 0 : i32
    %dma_start3A_386 = tpu.memref_slice %arg8[%dma_start3A_380, %dma_start3A_385] : memref<16x128xi32, #tpu.memory_space<vmem>> -> memref<1x128xi32, #tpu.memory_space<vmem>>
    %dma_start3A_387 = tpu.memref_squeeze %dma_start3A_386 : memref<1x128xi32, #tpu.memory_space<vmem>> -> memref<128xi32, #tpu.memory_space<vmem>>
    %dma_start3A_388 = arith.constant 0 : i32
    %dma_start3A_389 = arith.constant 0 : i32
    %dma_start3A_390 = tpu.memref_slice %arg10[%dma_start3A_388, %dma_start3A_389] : memref<2048x128xf32, #tpu.memory_space<vmem_shared>> -> memref<2048x128xf32, #tpu.memory_space<vmem_shared>>
    tpu.enqueue_indirect_dma source(%dma_start3A_384 : memref<128x128xf32, #tpu.memory_space<vmem>>) target(%dma_start3A_390 : memref<2048x128xf32, #tpu.memory_space<vmem_shared>>) offsets(%dma_start3A_387 : memref<128xi32, #tpu.memory_space<vmem>>) semaphore(%arg18 : memref<!tpu.dma_semaphore, #tpu.memory_space<semaphore_mem>>) {add = true}
    %dma_wait3A_391 = arith.constant 5 : i32
    %dma_wait3A_392 = arith.constant 5 : i32
    %dma_wait3A_393 = arith.constant 0 : i32
    %dma_wait3A_394 = arith.constant 0 : i32
    %dma_wait3A_395 = tpu.memref_slice %arg9[%dma_wait3A_391, %dma_wait3A_393, %dma_wait3A_394] : memref<6x128x128xf32, #tpu.memory_space<vmem>> -> memref<1x128x128xf32, #tpu.memory_space<vmem>>
    %dma_wait3A_396 = tpu.memref_squeeze %dma_wait3A_395 : memref<1x128x128xf32, #tpu.memory_space<vmem>> -> memref<128x128xf32, #tpu.memory_space<vmem>>
    %dma_wait3A_397 = arith.constant 0 : i32
    %dma_wait3A_398 = tpu.memref_slice %arg8[%dma_wait3A_392, %dma_wait3A_397] : memref<16x128xi32, #tpu.memory_space<vmem>> -> memref<1x128xi32, #tpu.memory_space<vmem>>
    %dma_wait3A_399 = tpu.memref_squeeze %dma_wait3A_398 : memref<1x128xi32, #tpu.memory_space<vmem>> -> memref<128xi32, #tpu.memory_space<vmem>>
    %dma_wait3A_400 = arith.constant 0 : i32
    %dma_wait3A_401 = arith.constant 0 : i32
    %dma_wait3A_402 = tpu.memref_slice %arg10[%dma_wait3A_400, %dma_wait3A_401] : memref<2048x128xf32, #tpu.memory_space<vmem_shared>> -> memref<2048x128xf32, #tpu.memory_space<vmem_shared>>
    tpu.wait_indirect_dma semaphore(%arg22 : memref<!tpu.dma_semaphore, #tpu.memory_space<semaphore_mem>>) src(%dma_wait3A_396 : memref<128x128xf32, #tpu.memory_space<vmem>>) dst(%dma_wait3A_402 : memref<2048x128xf32, #tpu.memory_space<vmem_shared>>)
    %dma_start3A_403 = arith.constant 11 : i32
    %dma_start3A_404 = arith.constant 5 : i32
    %dma_start3A_405 = arith.constant 0 : i32
    %dma_start3A_406 = arith.constant 0 : i32
    %dma_start3A_407 = tpu.memref_slice %arg9[%dma_start3A_404, %dma_start3A_405, %dma_start3A_406] : memref<6x128x128xf32, #tpu.memory_space<vmem>> -> memref<1x128x128xf32, #tpu.memory_space<vmem>>
    %dma_start3A_408 = tpu.memref_squeeze %dma_start3A_407 : memref<1x128x128xf32, #tpu.memory_space<vmem>> -> memref<128x128xf32, #tpu.memory_space<vmem>>
    %dma_start3A_409 = arith.constant 0 : i32
    %dma_start3A_410 = tpu.memref_slice %arg7[%dma_start3A_403, %dma_start3A_409] : memref<16x128xi32, #tpu.memory_space<vmem>> -> memref<1x128xi32, #tpu.memory_space<vmem>>
    %dma_start3A_411 = tpu.memref_squeeze %dma_start3A_410 : memref<1x128xi32, #tpu.memory_space<vmem>> -> memref<128xi32, #tpu.memory_space<vmem>>
    %dma_start3A_412 = arith.constant 0 : i32
    %dma_start3A_413 = arith.constant 0 : i32
    %dma_start3A_414 = tpu.memref_slice %arg4[%dma_start3A_412, %dma_start3A_413] : memref<2048x128xf32, #tpu.memory_space<hbm>> -> memref<2048x128xf32, #tpu.memory_space<hbm>>
    tpu.enqueue_indirect_dma source(%dma_start3A_414 : memref<2048x128xf32, #tpu.memory_space<hbm>>) target(%dma_start3A_408 : memref<128x128xf32, #tpu.memory_space<vmem>>) offsets(%dma_start3A_411 : memref<128xi32, #tpu.memory_space<vmem>>) semaphore(%arg16 : memref<!tpu.dma_semaphore, #tpu.memory_space<semaphore_mem>>)
    %dma_wait3A_415 = arith.constant 8 : i32
    %dma_wait3A_416 = arith.constant 2 : i32
    %dma_wait3A_417 = arith.constant 0 : i32
    %dma_wait3A_418 = arith.constant 0 : i32
    %dma_wait3A_419 = tpu.memref_slice %arg9[%dma_wait3A_416, %dma_wait3A_417, %dma_wait3A_418] : memref<6x128x128xf32, #tpu.memory_space<vmem>> -> memref<1x128x128xf32, #tpu.memory_space<vmem>>
    %dma_wait3A_420 = tpu.memref_squeeze %dma_wait3A_419 : memref<1x128x128xf32, #tpu.memory_space<vmem>> -> memref<128x128xf32, #tpu.memory_space<vmem>>
    %dma_wait3A_421 = arith.constant 0 : i32
    %dma_wait3A_422 = tpu.memref_slice %arg7[%dma_wait3A_415, %dma_wait3A_421] : memref<16x128xi32, #tpu.memory_space<vmem>> -> memref<1x128xi32, #tpu.memory_space<vmem>>
    %dma_wait3A_423 = tpu.memref_squeeze %dma_wait3A_422 : memref<1x128xi32, #tpu.memory_space<vmem>> -> memref<128xi32, #tpu.memory_space<vmem>>
    %dma_wait3A_424 = arith.constant 0 : i32
    %dma_wait3A_425 = arith.constant 0 : i32
    %dma_wait3A_426 = tpu.memref_slice %arg4[%dma_wait3A_424, %dma_wait3A_425] : memref<2048x128xf32, #tpu.memory_space<hbm>> -> memref<2048x128xf32, #tpu.memory_space<hbm>>
    tpu.wait_indirect_dma semaphore(%arg13 : memref<!tpu.dma_semaphore, #tpu.memory_space<semaphore_mem>>) src(%dma_wait3A_426 : memref<2048x128xf32, #tpu.memory_space<hbm>>) dst(%dma_wait3A_420 : memref<128x128xf32, #tpu.memory_space<vmem>>)
    %dma_start3A_427 = arith.constant 2 : i32
    %dma_start3A_428 = arith.constant 8 : i32
    %dma_start3A_429 = arith.constant 0 : i32
    %dma_start3A_430 = arith.constant 0 : i32
    %dma_start3A_431 = tpu.memref_slice %arg9[%dma_start3A_427, %dma_start3A_429, %dma_start3A_430] : memref<6x128x128xf32, #tpu.memory_space<vmem>> -> memref<1x128x128xf32, #tpu.memory_space<vmem>>
    %dma_start3A_432 = tpu.memref_squeeze %dma_start3A_431 : memref<1x128x128xf32, #tpu.memory_space<vmem>> -> memref<128x128xf32, #tpu.memory_space<vmem>>
    %dma_start3A_433 = arith.constant 0 : i32
    %dma_start3A_434 = tpu.memref_slice %arg8[%dma_start3A_428, %dma_start3A_433] : memref<16x128xi32, #tpu.memory_space<vmem>> -> memref<1x128xi32, #tpu.memory_space<vmem>>
    %dma_start3A_435 = tpu.memref_squeeze %dma_start3A_434 : memref<1x128xi32, #tpu.memory_space<vmem>> -> memref<128xi32, #tpu.memory_space<vmem>>
    %dma_start3A_436 = arith.constant 0 : i32
    %dma_start3A_437 = arith.constant 0 : i32
    %dma_start3A_438 = tpu.memref_slice %arg10[%dma_start3A_436, %dma_start3A_437] : memref<2048x128xf32, #tpu.memory_space<vmem_shared>> -> memref<2048x128xf32, #tpu.memory_space<vmem_shared>>
    tpu.enqueue_indirect_dma source(%dma_start3A_432 : memref<128x128xf32, #tpu.memory_space<vmem>>) target(%dma_start3A_438 : memref<2048x128xf32, #tpu.memory_space<vmem_shared>>) offsets(%dma_start3A_435 : memref<128xi32, #tpu.memory_space<vmem>>) semaphore(%arg19 : memref<!tpu.dma_semaphore, #tpu.memory_space<semaphore_mem>>) {add = true}
    %dma_wait3A_439 = arith.constant 0 : i32
    %dma_wait3A_440 = arith.constant 6 : i32
    %dma_wait3A_441 = arith.constant 0 : i32
    %dma_wait3A_442 = arith.constant 0 : i32
    %dma_wait3A_443 = tpu.memref_slice %arg9[%dma_wait3A_439, %dma_wait3A_441, %dma_wait3A_442] : memref<6x128x128xf32, #tpu.memory_space<vmem>> -> memref<1x128x128xf32, #tpu.memory_space<vmem>>
    %dma_wait3A_444 = tpu.memref_squeeze %dma_wait3A_443 : memref<1x128x128xf32, #tpu.memory_space<vmem>> -> memref<128x128xf32, #tpu.memory_space<vmem>>
    %dma_wait3A_445 = arith.constant 0 : i32
    %dma_wait3A_446 = tpu.memref_slice %arg8[%dma_wait3A_440, %dma_wait3A_445] : memref<16x128xi32, #tpu.memory_space<vmem>> -> memref<1x128xi32, #tpu.memory_space<vmem>>
    %dma_wait3A_447 = tpu.memref_squeeze %dma_wait3A_446 : memref<1x128xi32, #tpu.memory_space<vmem>> -> memref<128xi32, #tpu.memory_space<vmem>>
    %dma_wait3A_448 = arith.constant 0 : i32
    %dma_wait3A_449 = arith.constant 0 : i32
    %dma_wait3A_450 = tpu.memref_slice %arg10[%dma_wait3A_448, %dma_wait3A_449] : memref<2048x128xf32, #tpu.memory_space<vmem_shared>> -> memref<2048x128xf32, #tpu.memory_space<vmem_shared>>
    tpu.wait_indirect_dma semaphore(%arg17 : memref<!tpu.dma_semaphore, #tpu.memory_space<semaphore_mem>>) src(%dma_wait3A_444 : memref<128x128xf32, #tpu.memory_space<vmem>>) dst(%dma_wait3A_450 : memref<2048x128xf32, #tpu.memory_space<vmem_shared>>)
    %dma_start3A_451 = arith.constant 12 : i32
    %dma_start3A_452 = arith.constant 0 : i32
    %dma_start3A_453 = arith.constant 0 : i32
    %dma_start3A_454 = arith.constant 0 : i32
    %dma_start3A_455 = tpu.memref_slice %arg9[%dma_start3A_452, %dma_start3A_453, %dma_start3A_454] : memref<6x128x128xf32, #tpu.memory_space<vmem>> -> memref<1x128x128xf32, #tpu.memory_space<vmem>>
    %dma_start3A_456 = tpu.memref_squeeze %dma_start3A_455 : memref<1x128x128xf32, #tpu.memory_space<vmem>> -> memref<128x128xf32, #tpu.memory_space<vmem>>
    %dma_start3A_457 = arith.constant 0 : i32
    %dma_start3A_458 = tpu.memref_slice %arg7[%dma_start3A_451, %dma_start3A_457] : memref<16x128xi32, #tpu.memory_space<vmem>> -> memref<1x128xi32, #tpu.memory_space<vmem>>
    %dma_start3A_459 = tpu.memref_squeeze %dma_start3A_458 : memref<1x128xi32, #tpu.memory_space<vmem>> -> memref<128xi32, #tpu.memory_space<vmem>>
    %dma_start3A_460 = arith.constant 0 : i32
    %dma_start3A_461 = arith.constant 0 : i32
    %dma_start3A_462 = tpu.memref_slice %arg4[%dma_start3A_460, %dma_start3A_461] : memref<2048x128xf32, #tpu.memory_space<hbm>> -> memref<2048x128xf32, #tpu.memory_space<hbm>>
    tpu.enqueue_indirect_dma source(%dma_start3A_462 : memref<2048x128xf32, #tpu.memory_space<hbm>>) target(%dma_start3A_456 : memref<128x128xf32, #tpu.memory_space<vmem>>) offsets(%dma_start3A_459 : memref<128xi32, #tpu.memory_space<vmem>>) semaphore(%arg11 : memref<!tpu.dma_semaphore, #tpu.memory_space<semaphore_mem>>)
    %dma_wait3A_463 = arith.constant 9 : i32
    %dma_wait3A_464 = arith.constant 3 : i32
    %dma_wait3A_465 = arith.constant 0 : i32
    %dma_wait3A_466 = arith.constant 0 : i32
    %dma_wait3A_467 = tpu.memref_slice %arg9[%dma_wait3A_464, %dma_wait3A_465, %dma_wait3A_466] : memref<6x128x128xf32, #tpu.memory_space<vmem>> -> memref<1x128x128xf32, #tpu.memory_space<vmem>>
    %dma_wait3A_468 = tpu.memref_squeeze %dma_wait3A_467 : memref<1x128x128xf32, #tpu.memory_space<vmem>> -> memref<128x128xf32, #tpu.memory_space<vmem>>
    %dma_wait3A_469 = arith.constant 0 : i32
    %dma_wait3A_470 = tpu.memref_slice %arg7[%dma_wait3A_463, %dma_wait3A_469] : memref<16x128xi32, #tpu.memory_space<vmem>> -> memref<1x128xi32, #tpu.memory_space<vmem>>
    %dma_wait3A_471 = tpu.memref_squeeze %dma_wait3A_470 : memref<1x128xi32, #tpu.memory_space<vmem>> -> memref<128xi32, #tpu.memory_space<vmem>>
    %dma_wait3A_472 = arith.constant 0 : i32
    %dma_wait3A_473 = arith.constant 0 : i32
    %dma_wait3A_474 = tpu.memref_slice %arg4[%dma_wait3A_472, %dma_wait3A_473] : memref<2048x128xf32, #tpu.memory_space<hbm>> -> memref<2048x128xf32, #tpu.memory_space<hbm>>
    tpu.wait_indirect_dma semaphore(%arg14 : memref<!tpu.dma_semaphore, #tpu.memory_space<semaphore_mem>>) src(%dma_wait3A_474 : memref<2048x128xf32, #tpu.memory_space<hbm>>) dst(%dma_wait3A_468 : memref<128x128xf32, #tpu.memory_space<vmem>>)
    %dma_start3A_475 = arith.constant 3 : i32
    %dma_start3A_476 = arith.constant 9 : i32
    %dma_start3A_477 = arith.constant 0 : i32
    %dma_start3A_478 = arith.constant 0 : i32
    %dma_start3A_479 = tpu.memref_slice %arg9[%dma_start3A_475, %dma_start3A_477, %dma_start3A_478] : memref<6x128x128xf32, #tpu.memory_space<vmem>> -> memref<1x128x128xf32, #tpu.memory_space<vmem>>
    %dma_start3A_480 = tpu.memref_squeeze %dma_start3A_479 : memref<1x128x128xf32, #tpu.memory_space<vmem>> -> memref<128x128xf32, #tpu.memory_space<vmem>>
    %dma_start3A_481 = arith.constant 0 : i32
    %dma_start3A_482 = tpu.memref_slice %arg8[%dma_start3A_476, %dma_start3A_481] : memref<16x128xi32, #tpu.memory_space<vmem>> -> memref<1x128xi32, #tpu.memory_space<vmem>>
    %dma_start3A_483 = tpu.memref_squeeze %dma_start3A_482 : memref<1x128xi32, #tpu.memory_space<vmem>> -> memref<128xi32, #tpu.memory_space<vmem>>
    %dma_start3A_484 = arith.constant 0 : i32
    %dma_start3A_485 = arith.constant 0 : i32
    %dma_start3A_486 = tpu.memref_slice %arg10[%dma_start3A_484, %dma_start3A_485] : memref<2048x128xf32, #tpu.memory_space<vmem_shared>> -> memref<2048x128xf32, #tpu.memory_space<vmem_shared>>
    tpu.enqueue_indirect_dma source(%dma_start3A_480 : memref<128x128xf32, #tpu.memory_space<vmem>>) target(%dma_start3A_486 : memref<2048x128xf32, #tpu.memory_space<vmem_shared>>) offsets(%dma_start3A_483 : memref<128xi32, #tpu.memory_space<vmem>>) semaphore(%arg20 : memref<!tpu.dma_semaphore, #tpu.memory_space<semaphore_mem>>) {add = true}
    %dma_wait3A_487 = arith.constant 1 : i32
    %dma_wait3A_488 = arith.constant 7 : i32
    %dma_wait3A_489 = arith.constant 0 : i32
    %dma_wait3A_490 = arith.constant 0 : i32
    %dma_wait3A_491 = tpu.memref_slice %arg9[%dma_wait3A_487, %dma_wait3A_489, %dma_wait3A_490] : memref<6x128x128xf32, #tpu.memory_space<vmem>> -> memref<1x128x128xf32, #tpu.memory_space<vmem>>
    %dma_wait3A_492 = tpu.memref_squeeze %dma_wait3A_491 : memref<1x128x128xf32, #tpu.memory_space<vmem>> -> memref<128x128xf32, #tpu.memory_space<vmem>>
    %dma_wait3A_493 = arith.constant 0 : i32
    %dma_wait3A_494 = tpu.memref_slice %arg8[%dma_wait3A_488, %dma_wait3A_493] : memref<16x128xi32, #tpu.memory_space<vmem>> -> memref<1x128xi32, #tpu.memory_space<vmem>>
    %dma_wait3A_495 = tpu.memref_squeeze %dma_wait3A_494 : memref<1x128xi32, #tpu.memory_space<vmem>> -> memref<128xi32, #tpu.memory_space<vmem>>
    %dma_wait3A_496 = arith.constant 0 : i32
    %dma_wait3A_497 = arith.constant 0 : i32
    %dma_wait3A_498 = tpu.memref_slice %arg10[%dma_wait3A_496, %dma_wait3A_497] : memref<2048x128xf32, #tpu.memory_space<vmem_shared>> -> memref<2048x128xf32, #tpu.memory_space<vmem_shared>>
    tpu.wait_indirect_dma semaphore(%arg18 : memref<!tpu.dma_semaphore, #tpu.memory_space<semaphore_mem>>) src(%dma_wait3A_492 : memref<128x128xf32, #tpu.memory_space<vmem>>) dst(%dma_wait3A_498 : memref<2048x128xf32, #tpu.memory_space<vmem_shared>>)
    %dma_start3A_499 = arith.constant 13 : i32
    %dma_start3A_500 = arith.constant 1 : i32
    %dma_start3A_501 = arith.constant 0 : i32
    %dma_start3A_502 = arith.constant 0 : i32
    %dma_start3A_503 = tpu.memref_slice %arg9[%dma_start3A_500, %dma_start3A_501, %dma_start3A_502] : memref<6x128x128xf32, #tpu.memory_space<vmem>> -> memref<1x128x128xf32, #tpu.memory_space<vmem>>
    %dma_start3A_504 = tpu.memref_squeeze %dma_start3A_503 : memref<1x128x128xf32, #tpu.memory_space<vmem>> -> memref<128x128xf32, #tpu.memory_space<vmem>>
    %dma_start3A_505 = arith.constant 0 : i32
    %dma_start3A_506 = tpu.memref_slice %arg7[%dma_start3A_499, %dma_start3A_505] : memref<16x128xi32, #tpu.memory_space<vmem>> -> memref<1x128xi32, #tpu.memory_space<vmem>>
    %dma_start3A_507 = tpu.memref_squeeze %dma_start3A_506 : memref<1x128xi32, #tpu.memory_space<vmem>> -> memref<128xi32, #tpu.memory_space<vmem>>
    %dma_start3A_508 = arith.constant 0 : i32
    %dma_start3A_509 = arith.constant 0 : i32
    %dma_start3A_510 = tpu.memref_slice %arg4[%dma_start3A_508, %dma_start3A_509] : memref<2048x128xf32, #tpu.memory_space<hbm>> -> memref<2048x128xf32, #tpu.memory_space<hbm>>
    tpu.enqueue_indirect_dma source(%dma_start3A_510 : memref<2048x128xf32, #tpu.memory_space<hbm>>) target(%dma_start3A_504 : memref<128x128xf32, #tpu.memory_space<vmem>>) offsets(%dma_start3A_507 : memref<128xi32, #tpu.memory_space<vmem>>) semaphore(%arg12 : memref<!tpu.dma_semaphore, #tpu.memory_space<semaphore_mem>>)
    %dma_wait3A_511 = arith.constant 10 : i32
    %dma_wait3A_512 = arith.constant 4 : i32
    %dma_wait3A_513 = arith.constant 0 : i32
    %dma_wait3A_514 = arith.constant 0 : i32
    %dma_wait3A_515 = tpu.memref_slice %arg9[%dma_wait3A_512, %dma_wait3A_513, %dma_wait3A_514] : memref<6x128x128xf32, #tpu.memory_space<vmem>> -> memref<1x128x128xf32, #tpu.memory_space<vmem>>
    %dma_wait3A_516 = tpu.memref_squeeze %dma_wait3A_515 : memref<1x128x128xf32, #tpu.memory_space<vmem>> -> memref<128x128xf32, #tpu.memory_space<vmem>>
    %dma_wait3A_517 = arith.constant 0 : i32
    %dma_wait3A_518 = tpu.memref_slice %arg7[%dma_wait3A_511, %dma_wait3A_517] : memref<16x128xi32, #tpu.memory_space<vmem>> -> memref<1x128xi32, #tpu.memory_space<vmem>>
    %dma_wait3A_519 = tpu.memref_squeeze %dma_wait3A_518 : memref<1x128xi32, #tpu.memory_space<vmem>> -> memref<128xi32, #tpu.memory_space<vmem>>
    %dma_wait3A_520 = arith.constant 0 : i32
    %dma_wait3A_521 = arith.constant 0 : i32
    %dma_wait3A_522 = tpu.memref_slice %arg4[%dma_wait3A_520, %dma_wait3A_521] : memref<2048x128xf32, #tpu.memory_space<hbm>> -> memref<2048x128xf32, #tpu.memory_space<hbm>>
    tpu.wait_indirect_dma semaphore(%arg15 : memref<!tpu.dma_semaphore, #tpu.memory_space<semaphore_mem>>) src(%dma_wait3A_522 : memref<2048x128xf32, #tpu.memory_space<hbm>>) dst(%dma_wait3A_516 : memref<128x128xf32, #tpu.memory_space<vmem>>)
    %dma_start3A_523 = arith.constant 4 : i32
    %dma_start3A_524 = arith.constant 10 : i32
    %dma_start3A_525 = arith.constant 0 : i32
    %dma_start3A_526 = arith.constant 0 : i32
    %dma_start3A_527 = tpu.memref_slice %arg9[%dma_start3A_523, %dma_start3A_525, %dma_start3A_526] : memref<6x128x128xf32, #tpu.memory_space<vmem>> -> memref<1x128x128xf32, #tpu.memory_space<vmem>>
    %dma_start3A_528 = tpu.memref_squeeze %dma_start3A_527 : memref<1x128x128xf32, #tpu.memory_space<vmem>> -> memref<128x128xf32, #tpu.memory_space<vmem>>
    %dma_start3A_529 = arith.constant 0 : i32
    %dma_start3A_530 = tpu.memref_slice %arg8[%dma_start3A_524, %dma_start3A_529] : memref<16x128xi32, #tpu.memory_space<vmem>> -> memref<1x128xi32, #tpu.memory_space<vmem>>
    %dma_start3A_531 = tpu.memref_squeeze %dma_start3A_530 : memref<1x128xi32, #tpu.memory_space<vmem>> -> memref<128xi32, #tpu.memory_space<vmem>>
    %dma_start3A_532 = arith.constant 0 : i32
    %dma_start3A_533 = arith.constant 0 : i32
    %dma_start3A_534 = tpu.memref_slice %arg10[%dma_start3A_532, %dma_start3A_533] : memref<2048x128xf32, #tpu.memory_space<vmem_shared>> -> memref<2048x128xf32, #tpu.memory_space<vmem_shared>>
    tpu.enqueue_indirect_dma source(%dma_start3A_528 : memref<128x128xf32, #tpu.memory_space<vmem>>) target(%dma_start3A_534 : memref<2048x128xf32, #tpu.memory_space<vmem_shared>>) offsets(%dma_start3A_531 : memref<128xi32, #tpu.memory_space<vmem>>) semaphore(%arg21 : memref<!tpu.dma_semaphore, #tpu.memory_space<semaphore_mem>>) {add = true}
    %dma_wait3A_535 = arith.constant 2 : i32
    %dma_wait3A_536 = arith.constant 8 : i32
    %dma_wait3A_537 = arith.constant 0 : i32
    %dma_wait3A_538 = arith.constant 0 : i32
    %dma_wait3A_539 = tpu.memref_slice %arg9[%dma_wait3A_535, %dma_wait3A_537, %dma_wait3A_538] : memref<6x128x128xf32, #tpu.memory_space<vmem>> -> memref<1x128x128xf32, #tpu.memory_space<vmem>>
    %dma_wait3A_540 = tpu.memref_squeeze %dma_wait3A_539 : memref<1x128x128xf32, #tpu.memory_space<vmem>> -> memref<128x128xf32, #tpu.memory_space<vmem>>
    %dma_wait3A_541 = arith.constant 0 : i32
    %dma_wait3A_542 = tpu.memref_slice %arg8[%dma_wait3A_536, %dma_wait3A_541] : memref<16x128xi32, #tpu.memory_space<vmem>> -> memref<1x128xi32, #tpu.memory_space<vmem>>
    %dma_wait3A_543 = tpu.memref_squeeze %dma_wait3A_542 : memref<1x128xi32, #tpu.memory_space<vmem>> -> memref<128xi32, #tpu.memory_space<vmem>>
    %dma_wait3A_544 = arith.constant 0 : i32
    %dma_wait3A_545 = arith.constant 0 : i32
    %dma_wait3A_546 = tpu.memref_slice %arg10[%dma_wait3A_544, %dma_wait3A_545] : memref<2048x128xf32, #tpu.memory_space<vmem_shared>> -> memref<2048x128xf32, #tpu.memory_space<vmem_shared>>
    tpu.wait_indirect_dma semaphore(%arg19 : memref<!tpu.dma_semaphore, #tpu.memory_space<semaphore_mem>>) src(%dma_wait3A_540 : memref<128x128xf32, #tpu.memory_space<vmem>>) dst(%dma_wait3A_546 : memref<2048x128xf32, #tpu.memory_space<vmem_shared>>)
    %dma_start3A_547 = arith.constant 14 : i32
    %dma_start3A_548 = arith.constant 2 : i32
    %dma_start3A_549 = arith.constant 0 : i32
    %dma_start3A_550 = arith.constant 0 : i32
    %dma_start3A_551 = tpu.memref_slice %arg9[%dma_start3A_548, %dma_start3A_549, %dma_start3A_550] : memref<6x128x128xf32, #tpu.memory_space<vmem>> -> memref<1x128x128xf32, #tpu.memory_space<vmem>>
    %dma_start3A_552 = tpu.memref_squeeze %dma_start3A_551 : memref<1x128x128xf32, #tpu.memory_space<vmem>> -> memref<128x128xf32, #tpu.memory_space<vmem>>
    %dma_start3A_553 = arith.constant 0 : i32
    %dma_start3A_554 = tpu.memref_slice %arg7[%dma_start3A_547, %dma_start3A_553] : memref<16x128xi32, #tpu.memory_space<vmem>> -> memref<1x128xi32, #tpu.memory_space<vmem>>
    %dma_start3A_555 = tpu.memref_squeeze %dma_start3A_554 : memref<1x128xi32, #tpu.memory_space<vmem>> -> memref<128xi32, #tpu.memory_space<vmem>>
    %dma_start3A_556 = arith.constant 0 : i32
    %dma_start3A_557 = arith.constant 0 : i32
    %dma_start3A_558 = tpu.memref_slice %arg4[%dma_start3A_556, %dma_start3A_557] : memref<2048x128xf32, #tpu.memory_space<hbm>> -> memref<2048x128xf32, #tpu.memory_space<hbm>>
    tpu.enqueue_indirect_dma source(%dma_start3A_558 : memref<2048x128xf32, #tpu.memory_space<hbm>>) target(%dma_start3A_552 : memref<128x128xf32, #tpu.memory_space<vmem>>) offsets(%dma_start3A_555 : memref<128xi32, #tpu.memory_space<vmem>>) semaphore(%arg13 : memref<!tpu.dma_semaphore, #tpu.memory_space<semaphore_mem>>)
    %dma_wait3A_559 = arith.constant 11 : i32
    %dma_wait3A_560 = arith.constant 5 : i32
    %dma_wait3A_561 = arith.constant 0 : i32
    %dma_wait3A_562 = arith.constant 0 : i32
    %dma_wait3A_563 = tpu.memref_slice %arg9[%dma_wait3A_560, %dma_wait3A_561, %dma_wait3A_562] : memref<6x128x128xf32, #tpu.memory_space<vmem>> -> memref<1x128x128xf32, #tpu.memory_space<vmem>>
    %dma_wait3A_564 = tpu.memref_squeeze %dma_wait3A_563 : memref<1x128x128xf32, #tpu.memory_space<vmem>> -> memref<128x128xf32, #tpu.memory_space<vmem>>
    %dma_wait3A_565 = arith.constant 0 : i32
    %dma_wait3A_566 = tpu.memref_slice %arg7[%dma_wait3A_559, %dma_wait3A_565] : memref<16x128xi32, #tpu.memory_space<vmem>> -> memref<1x128xi32, #tpu.memory_space<vmem>>
    %dma_wait3A_567 = tpu.memref_squeeze %dma_wait3A_566 : memref<1x128xi32, #tpu.memory_space<vmem>> -> memref<128xi32, #tpu.memory_space<vmem>>
    %dma_wait3A_568 = arith.constant 0 : i32
    %dma_wait3A_569 = arith.constant 0 : i32
    %dma_wait3A_570 = tpu.memref_slice %arg4[%dma_wait3A_568, %dma_wait3A_569] : memref<2048x128xf32, #tpu.memory_space<hbm>> -> memref<2048x128xf32, #tpu.memory_space<hbm>>
    tpu.wait_indirect_dma semaphore(%arg16 : memref<!tpu.dma_semaphore, #tpu.memory_space<semaphore_mem>>) src(%dma_wait3A_570 : memref<2048x128xf32, #tpu.memory_space<hbm>>) dst(%dma_wait3A_564 : memref<128x128xf32, #tpu.memory_space<vmem>>)
    %dma_start3A_571 = arith.constant 5 : i32
    %dma_start3A_572 = arith.constant 11 : i32
    %dma_start3A_573 = arith.constant 0 : i32
    %dma_start3A_574 = arith.constant 0 : i32
    %dma_start3A_575 = tpu.memref_slice %arg9[%dma_start3A_571, %dma_start3A_573, %dma_start3A_574] : memref<6x128x128xf32, #tpu.memory_space<vmem>> -> memref<1x128x128xf32, #tpu.memory_space<vmem>>
    %dma_start3A_576 = tpu.memref_squeeze %dma_start3A_575 : memref<1x128x128xf32, #tpu.memory_space<vmem>> -> memref<128x128xf32, #tpu.memory_space<vmem>>
    %dma_start3A_577 = arith.constant 0 : i32
    %dma_start3A_578 = tpu.memref_slice %arg8[%dma_start3A_572, %dma_start3A_577] : memref<16x128xi32, #tpu.memory_space<vmem>> -> memref<1x128xi32, #tpu.memory_space<vmem>>
    %dma_start3A_579 = tpu.memref_squeeze %dma_start3A_578 : memref<1x128xi32, #tpu.memory_space<vmem>> -> memref<128xi32, #tpu.memory_space<vmem>>
    %dma_start3A_580 = arith.constant 0 : i32
    %dma_start3A_581 = arith.constant 0 : i32
    %dma_start3A_582 = tpu.memref_slice %arg10[%dma_start3A_580, %dma_start3A_581] : memref<2048x128xf32, #tpu.memory_space<vmem_shared>> -> memref<2048x128xf32, #tpu.memory_space<vmem_shared>>
    tpu.enqueue_indirect_dma source(%dma_start3A_576 : memref<128x128xf32, #tpu.memory_space<vmem>>) target(%dma_start3A_582 : memref<2048x128xf32, #tpu.memory_space<vmem_shared>>) offsets(%dma_start3A_579 : memref<128xi32, #tpu.memory_space<vmem>>) semaphore(%arg22 : memref<!tpu.dma_semaphore, #tpu.memory_space<semaphore_mem>>) {add = true}
    %dma_wait3A_583 = arith.constant 3 : i32
    %dma_wait3A_584 = arith.constant 9 : i32
    %dma_wait3A_585 = arith.constant 0 : i32
    %dma_wait3A_586 = arith.constant 0 : i32
    %dma_wait3A_587 = tpu.memref_slice %arg9[%dma_wait3A_583, %dma_wait3A_585, %dma_wait3A_586] : memref<6x128x128xf32, #tpu.memory_space<vmem>> -> memref<1x128x128xf32, #tpu.memory_space<vmem>>
    %dma_wait3A_588 = tpu.memref_squeeze %dma_wait3A_587 : memref<1x128x128xf32, #tpu.memory_space<vmem>> -> memref<128x128xf32, #tpu.memory_space<vmem>>
    %dma_wait3A_589 = arith.constant 0 : i32
    %dma_wait3A_590 = tpu.memref_slice %arg8[%dma_wait3A_584, %dma_wait3A_589] : memref<16x128xi32, #tpu.memory_space<vmem>> -> memref<1x128xi32, #tpu.memory_space<vmem>>
    %dma_wait3A_591 = tpu.memref_squeeze %dma_wait3A_590 : memref<1x128xi32, #tpu.memory_space<vmem>> -> memref<128xi32, #tpu.memory_space<vmem>>
    %dma_wait3A_592 = arith.constant 0 : i32
    %dma_wait3A_593 = arith.constant 0 : i32
    %dma_wait3A_594 = tpu.memref_slice %arg10[%dma_wait3A_592, %dma_wait3A_593] : memref<2048x128xf32, #tpu.memory_space<vmem_shared>> -> memref<2048x128xf32, #tpu.memory_space<vmem_shared>>
    tpu.wait_indirect_dma semaphore(%arg20 : memref<!tpu.dma_semaphore, #tpu.memory_space<semaphore_mem>>) src(%dma_wait3A_588 : memref<128x128xf32, #tpu.memory_space<vmem>>) dst(%dma_wait3A_594 : memref<2048x128xf32, #tpu.memory_space<vmem_shared>>)
    %dma_start3A_595 = arith.constant 15 : i32
    %dma_start3A_596 = arith.constant 3 : i32
    %dma_start3A_597 = arith.constant 0 : i32
    %dma_start3A_598 = arith.constant 0 : i32
    %dma_start3A_599 = tpu.memref_slice %arg9[%dma_start3A_596, %dma_start3A_597, %dma_start3A_598] : memref<6x128x128xf32, #tpu.memory_space<vmem>> -> memref<1x128x128xf32, #tpu.memory_space<vmem>>
    %dma_start3A_600 = tpu.memref_squeeze %dma_start3A_599 : memref<1x128x128xf32, #tpu.memory_space<vmem>> -> memref<128x128xf32, #tpu.memory_space<vmem>>
    %dma_start3A_601 = arith.constant 0 : i32
    %dma_start3A_602 = tpu.memref_slice %arg7[%dma_start3A_595, %dma_start3A_601] : memref<16x128xi32, #tpu.memory_space<vmem>> -> memref<1x128xi32, #tpu.memory_space<vmem>>
    %dma_start3A_603 = tpu.memref_squeeze %dma_start3A_602 : memref<1x128xi32, #tpu.memory_space<vmem>> -> memref<128xi32, #tpu.memory_space<vmem>>
    %dma_start3A_604 = arith.constant 0 : i32
    %dma_start3A_605 = arith.constant 0 : i32
    %dma_start3A_606 = tpu.memref_slice %arg4[%dma_start3A_604, %dma_start3A_605] : memref<2048x128xf32, #tpu.memory_space<hbm>> -> memref<2048x128xf32, #tpu.memory_space<hbm>>
    tpu.enqueue_indirect_dma source(%dma_start3A_606 : memref<2048x128xf32, #tpu.memory_space<hbm>>) target(%dma_start3A_600 : memref<128x128xf32, #tpu.memory_space<vmem>>) offsets(%dma_start3A_603 : memref<128xi32, #tpu.memory_space<vmem>>) semaphore(%arg14 : memref<!tpu.dma_semaphore, #tpu.memory_space<semaphore_mem>>)
    %dma_wait3A_607 = arith.constant 12 : i32
    %dma_wait3A_608 = arith.constant 0 : i32
    %dma_wait3A_609 = arith.constant 0 : i32
    %dma_wait3A_610 = arith.constant 0 : i32
    %dma_wait3A_611 = tpu.memref_slice %arg9[%dma_wait3A_608, %dma_wait3A_609, %dma_wait3A_610] : memref<6x128x128xf32, #tpu.memory_space<vmem>> -> memref<1x128x128xf32, #tpu.memory_space<vmem>>
    %dma_wait3A_612 = tpu.memref_squeeze %dma_wait3A_611 : memref<1x128x128xf32, #tpu.memory_space<vmem>> -> memref<128x128xf32, #tpu.memory_space<vmem>>
    %dma_wait3A_613 = arith.constant 0 : i32
    %dma_wait3A_614 = tpu.memref_slice %arg7[%dma_wait3A_607, %dma_wait3A_613] : memref<16x128xi32, #tpu.memory_space<vmem>> -> memref<1x128xi32, #tpu.memory_space<vmem>>
    %dma_wait3A_615 = tpu.memref_squeeze %dma_wait3A_614 : memref<1x128xi32, #tpu.memory_space<vmem>> -> memref<128xi32, #tpu.memory_space<vmem>>
    %dma_wait3A_616 = arith.constant 0 : i32
    %dma_wait3A_617 = arith.constant 0 : i32
    %dma_wait3A_618 = tpu.memref_slice %arg4[%dma_wait3A_616, %dma_wait3A_617] : memref<2048x128xf32, #tpu.memory_space<hbm>> -> memref<2048x128xf32, #tpu.memory_space<hbm>>
    tpu.wait_indirect_dma semaphore(%arg11 : memref<!tpu.dma_semaphore, #tpu.memory_space<semaphore_mem>>) src(%dma_wait3A_618 : memref<2048x128xf32, #tpu.memory_space<hbm>>) dst(%dma_wait3A_612 : memref<128x128xf32, #tpu.memory_space<vmem>>)
    %dma_start3A_619 = arith.constant 0 : i32
    %dma_start3A_620 = arith.constant 12 : i32
    %dma_start3A_621 = arith.constant 0 : i32
    %dma_start3A_622 = arith.constant 0 : i32
    %dma_start3A_623 = tpu.memref_slice %arg9[%dma_start3A_619, %dma_start3A_621, %dma_start3A_622] : memref<6x128x128xf32, #tpu.memory_space<vmem>> -> memref<1x128x128xf32, #tpu.memory_space<vmem>>
    %dma_start3A_624 = tpu.memref_squeeze %dma_start3A_623 : memref<1x128x128xf32, #tpu.memory_space<vmem>> -> memref<128x128xf32, #tpu.memory_space<vmem>>
    %dma_start3A_625 = arith.constant 0 : i32
    %dma_start3A_626 = tpu.memref_slice %arg8[%dma_start3A_620, %dma_start3A_625] : memref<16x128xi32, #tpu.memory_space<vmem>> -> memref<1x128xi32, #tpu.memory_space<vmem>>
    %dma_start3A_627 = tpu.memref_squeeze %dma_start3A_626 : memref<1x128xi32, #tpu.memory_space<vmem>> -> memref<128xi32, #tpu.memory_space<vmem>>
    %dma_start3A_628 = arith.constant 0 : i32
    %dma_start3A_629 = arith.constant 0 : i32
    %dma_start3A_630 = tpu.memref_slice %arg10[%dma_start3A_628, %dma_start3A_629] : memref<2048x128xf32, #tpu.memory_space<vmem_shared>> -> memref<2048x128xf32, #tpu.memory_space<vmem_shared>>
    tpu.enqueue_indirect_dma source(%dma_start3A_624 : memref<128x128xf32, #tpu.memory_space<vmem>>) target(%dma_start3A_630 : memref<2048x128xf32, #tpu.memory_space<vmem_shared>>) offsets(%dma_start3A_627 : memref<128xi32, #tpu.memory_space<vmem>>) semaphore(%arg17 : memref<!tpu.dma_semaphore, #tpu.memory_space<semaphore_mem>>) {add = true}
    %dma_wait3A_631 = arith.constant 13 : i32
    %dma_wait3A_632 = arith.constant 1 : i32
    %dma_wait3A_633 = arith.constant 0 : i32
    %dma_wait3A_634 = arith.constant 0 : i32
    %dma_wait3A_635 = tpu.memref_slice %arg9[%dma_wait3A_632, %dma_wait3A_633, %dma_wait3A_634] : memref<6x128x128xf32, #tpu.memory_space<vmem>> -> memref<1x128x128xf32, #tpu.memory_space<vmem>>
    %dma_wait3A_636 = tpu.memref_squeeze %dma_wait3A_635 : memref<1x128x128xf32, #tpu.memory_space<vmem>> -> memref<128x128xf32, #tpu.memory_space<vmem>>
    %dma_wait3A_637 = arith.constant 0 : i32
    %dma_wait3A_638 = tpu.memref_slice %arg7[%dma_wait3A_631, %dma_wait3A_637] : memref<16x128xi32, #tpu.memory_space<vmem>> -> memref<1x128xi32, #tpu.memory_space<vmem>>
    %dma_wait3A_639 = tpu.memref_squeeze %dma_wait3A_638 : memref<1x128xi32, #tpu.memory_space<vmem>> -> memref<128xi32, #tpu.memory_space<vmem>>
    %dma_wait3A_640 = arith.constant 0 : i32
    %dma_wait3A_641 = arith.constant 0 : i32
    %dma_wait3A_642 = tpu.memref_slice %arg4[%dma_wait3A_640, %dma_wait3A_641] : memref<2048x128xf32, #tpu.memory_space<hbm>> -> memref<2048x128xf32, #tpu.memory_space<hbm>>
    tpu.wait_indirect_dma semaphore(%arg12 : memref<!tpu.dma_semaphore, #tpu.memory_space<semaphore_mem>>) src(%dma_wait3A_642 : memref<2048x128xf32, #tpu.memory_space<hbm>>) dst(%dma_wait3A_636 : memref<128x128xf32, #tpu.memory_space<vmem>>)
    %dma_start3A_643 = arith.constant 1 : i32
    %dma_start3A_644 = arith.constant 13 : i32
    %dma_start3A_645 = arith.constant 0 : i32
    %dma_start3A_646 = arith.constant 0 : i32
    %dma_start3A_647 = tpu.memref_slice %arg9[%dma_start3A_643, %dma_start3A_645, %dma_start3A_646] : memref<6x128x128xf32, #tpu.memory_space<vmem>> -> memref<1x128x128xf32, #tpu.memory_space<vmem>>
    %dma_start3A_648 = tpu.memref_squeeze %dma_start3A_647 : memref<1x128x128xf32, #tpu.memory_space<vmem>> -> memref<128x128xf32, #tpu.memory_space<vmem>>
    %dma_start3A_649 = arith.constant 0 : i32
    %dma_start3A_650 = tpu.memref_slice %arg8[%dma_start3A_644, %dma_start3A_649] : memref<16x128xi32, #tpu.memory_space<vmem>> -> memref<1x128xi32, #tpu.memory_space<vmem>>
    %dma_start3A_651 = tpu.memref_squeeze %dma_start3A_650 : memref<1x128xi32, #tpu.memory_space<vmem>> -> memref<128xi32, #tpu.memory_space<vmem>>
    %dma_start3A_652 = arith.constant 0 : i32
    %dma_start3A_653 = arith.constant 0 : i32
    %dma_start3A_654 = tpu.memref_slice %arg10[%dma_start3A_652, %dma_start3A_653] : memref<2048x128xf32, #tpu.memory_space<vmem_shared>> -> memref<2048x128xf32, #tpu.memory_space<vmem_shared>>
    tpu.enqueue_indirect_dma source(%dma_start3A_648 : memref<128x128xf32, #tpu.memory_space<vmem>>) target(%dma_start3A_654 : memref<2048x128xf32, #tpu.memory_space<vmem_shared>>) offsets(%dma_start3A_651 : memref<128xi32, #tpu.memory_space<vmem>>) semaphore(%arg18 : memref<!tpu.dma_semaphore, #tpu.memory_space<semaphore_mem>>) {add = true}
    %dma_wait3A_655 = arith.constant 14 : i32
    %dma_wait3A_656 = arith.constant 2 : i32
    %dma_wait3A_657 = arith.constant 0 : i32
    %dma_wait3A_658 = arith.constant 0 : i32
    %dma_wait3A_659 = tpu.memref_slice %arg9[%dma_wait3A_656, %dma_wait3A_657, %dma_wait3A_658] : memref<6x128x128xf32, #tpu.memory_space<vmem>> -> memref<1x128x128xf32, #tpu.memory_space<vmem>>
    %dma_wait3A_660 = tpu.memref_squeeze %dma_wait3A_659 : memref<1x128x128xf32, #tpu.memory_space<vmem>> -> memref<128x128xf32, #tpu.memory_space<vmem>>
    %dma_wait3A_661 = arith.constant 0 : i32
    %dma_wait3A_662 = tpu.memref_slice %arg7[%dma_wait3A_655, %dma_wait3A_661] : memref<16x128xi32, #tpu.memory_space<vmem>> -> memref<1x128xi32, #tpu.memory_space<vmem>>
    %dma_wait3A_663 = tpu.memref_squeeze %dma_wait3A_662 : memref<1x128xi32, #tpu.memory_space<vmem>> -> memref<128xi32, #tpu.memory_space<vmem>>
    %dma_wait3A_664 = arith.constant 0 : i32
    %dma_wait3A_665 = arith.constant 0 : i32
    %dma_wait3A_666 = tpu.memref_slice %arg4[%dma_wait3A_664, %dma_wait3A_665] : memref<2048x128xf32, #tpu.memory_space<hbm>> -> memref<2048x128xf32, #tpu.memory_space<hbm>>
    tpu.wait_indirect_dma semaphore(%arg13 : memref<!tpu.dma_semaphore, #tpu.memory_space<semaphore_mem>>) src(%dma_wait3A_666 : memref<2048x128xf32, #tpu.memory_space<hbm>>) dst(%dma_wait3A_660 : memref<128x128xf32, #tpu.memory_space<vmem>>)
    %dma_start3A_667 = arith.constant 2 : i32
    %dma_start3A_668 = arith.constant 14 : i32
    %dma_start3A_669 = arith.constant 0 : i32
    %dma_start3A_670 = arith.constant 0 : i32
    %dma_start3A_671 = tpu.memref_slice %arg9[%dma_start3A_667, %dma_start3A_669, %dma_start3A_670] : memref<6x128x128xf32, #tpu.memory_space<vmem>> -> memref<1x128x128xf32, #tpu.memory_space<vmem>>
    %dma_start3A_672 = tpu.memref_squeeze %dma_start3A_671 : memref<1x128x128xf32, #tpu.memory_space<vmem>> -> memref<128x128xf32, #tpu.memory_space<vmem>>
    %dma_start3A_673 = arith.constant 0 : i32
    %dma_start3A_674 = tpu.memref_slice %arg8[%dma_start3A_668, %dma_start3A_673] : memref<16x128xi32, #tpu.memory_space<vmem>> -> memref<1x128xi32, #tpu.memory_space<vmem>>
    %dma_start3A_675 = tpu.memref_squeeze %dma_start3A_674 : memref<1x128xi32, #tpu.memory_space<vmem>> -> memref<128xi32, #tpu.memory_space<vmem>>
    %dma_start3A_676 = arith.constant 0 : i32
    %dma_start3A_677 = arith.constant 0 : i32
    %dma_start3A_678 = tpu.memref_slice %arg10[%dma_start3A_676, %dma_start3A_677] : memref<2048x128xf32, #tpu.memory_space<vmem_shared>> -> memref<2048x128xf32, #tpu.memory_space<vmem_shared>>
    tpu.enqueue_indirect_dma source(%dma_start3A_672 : memref<128x128xf32, #tpu.memory_space<vmem>>) target(%dma_start3A_678 : memref<2048x128xf32, #tpu.memory_space<vmem_shared>>) offsets(%dma_start3A_675 : memref<128xi32, #tpu.memory_space<vmem>>) semaphore(%arg19 : memref<!tpu.dma_semaphore, #tpu.memory_space<semaphore_mem>>) {add = true}
    %dma_wait3A_679 = arith.constant 15 : i32
    %dma_wait3A_680 = arith.constant 3 : i32
    %dma_wait3A_681 = arith.constant 0 : i32
    %dma_wait3A_682 = arith.constant 0 : i32
    %dma_wait3A_683 = tpu.memref_slice %arg9[%dma_wait3A_680, %dma_wait3A_681, %dma_wait3A_682] : memref<6x128x128xf32, #tpu.memory_space<vmem>> -> memref<1x128x128xf32, #tpu.memory_space<vmem>>
    %dma_wait3A_684 = tpu.memref_squeeze %dma_wait3A_683 : memref<1x128x128xf32, #tpu.memory_space<vmem>> -> memref<128x128xf32, #tpu.memory_space<vmem>>
    %dma_wait3A_685 = arith.constant 0 : i32
    %dma_wait3A_686 = tpu.memref_slice %arg7[%dma_wait3A_679, %dma_wait3A_685] : memref<16x128xi32, #tpu.memory_space<vmem>> -> memref<1x128xi32, #tpu.memory_space<vmem>>
    %dma_wait3A_687 = tpu.memref_squeeze %dma_wait3A_686 : memref<1x128xi32, #tpu.memory_space<vmem>> -> memref<128xi32, #tpu.memory_space<vmem>>
    %dma_wait3A_688 = arith.constant 0 : i32
    %dma_wait3A_689 = arith.constant 0 : i32
    %dma_wait3A_690 = tpu.memref_slice %arg4[%dma_wait3A_688, %dma_wait3A_689] : memref<2048x128xf32, #tpu.memory_space<hbm>> -> memref<2048x128xf32, #tpu.memory_space<hbm>>
    tpu.wait_indirect_dma semaphore(%arg14 : memref<!tpu.dma_semaphore, #tpu.memory_space<semaphore_mem>>) src(%dma_wait3A_690 : memref<2048x128xf32, #tpu.memory_space<hbm>>) dst(%dma_wait3A_684 : memref<128x128xf32, #tpu.memory_space<vmem>>)
    %dma_start3A_691 = arith.constant 3 : i32
    %dma_start3A_692 = arith.constant 15 : i32
    %dma_start3A_693 = arith.constant 0 : i32
    %dma_start3A_694 = arith.constant 0 : i32
    %dma_start3A_695 = tpu.memref_slice %arg9[%dma_start3A_691, %dma_start3A_693, %dma_start3A_694] : memref<6x128x128xf32, #tpu.memory_space<vmem>> -> memref<1x128x128xf32, #tpu.memory_space<vmem>>
    %dma_start3A_696 = tpu.memref_squeeze %dma_start3A_695 : memref<1x128x128xf32, #tpu.memory_space<vmem>> -> memref<128x128xf32, #tpu.memory_space<vmem>>
    %dma_start3A_697 = arith.constant 0 : i32
    %dma_start3A_698 = tpu.memref_slice %arg8[%dma_start3A_692, %dma_start3A_697] : memref<16x128xi32, #tpu.memory_space<vmem>> -> memref<1x128xi32, #tpu.memory_space<vmem>>
    %dma_start3A_699 = tpu.memref_squeeze %dma_start3A_698 : memref<1x128xi32, #tpu.memory_space<vmem>> -> memref<128xi32, #tpu.memory_space<vmem>>
    %dma_start3A_700 = arith.constant 0 : i32
    %dma_start3A_701 = arith.constant 0 : i32
    %dma_start3A_702 = tpu.memref_slice %arg10[%dma_start3A_700, %dma_start3A_701] : memref<2048x128xf32, #tpu.memory_space<vmem_shared>> -> memref<2048x128xf32, #tpu.memory_space<vmem_shared>>
    tpu.enqueue_indirect_dma source(%dma_start3A_696 : memref<128x128xf32, #tpu.memory_space<vmem>>) target(%dma_start3A_702 : memref<2048x128xf32, #tpu.memory_space<vmem_shared>>) offsets(%dma_start3A_699 : memref<128xi32, #tpu.memory_space<vmem>>) semaphore(%arg20 : memref<!tpu.dma_semaphore, #tpu.memory_space<semaphore_mem>>) {add = true}
    %dma_wait3A_703 = arith.constant 4 : i32
    %dma_wait3A_704 = arith.constant 10 : i32
    %dma_wait3A_705 = arith.constant 0 : i32
    %dma_wait3A_706 = arith.constant 0 : i32
    %dma_wait3A_707 = tpu.memref_slice %arg9[%dma_wait3A_703, %dma_wait3A_705, %dma_wait3A_706] : memref<6x128x128xf32, #tpu.memory_space<vmem>> -> memref<1x128x128xf32, #tpu.memory_space<vmem>>
    %dma_wait3A_708 = tpu.memref_squeeze %dma_wait3A_707 : memref<1x128x128xf32, #tpu.memory_space<vmem>> -> memref<128x128xf32, #tpu.memory_space<vmem>>
    %dma_wait3A_709 = arith.constant 0 : i32
    %dma_wait3A_710 = tpu.memref_slice %arg8[%dma_wait3A_704, %dma_wait3A_709] : memref<16x128xi32, #tpu.memory_space<vmem>> -> memref<1x128xi32, #tpu.memory_space<vmem>>
    %dma_wait3A_711 = tpu.memref_squeeze %dma_wait3A_710 : memref<1x128xi32, #tpu.memory_space<vmem>> -> memref<128xi32, #tpu.memory_space<vmem>>
    %dma_wait3A_712 = arith.constant 0 : i32
    %dma_wait3A_713 = arith.constant 0 : i32
    %dma_wait3A_714 = tpu.memref_slice %arg10[%dma_wait3A_712, %dma_wait3A_713] : memref<2048x128xf32, #tpu.memory_space<vmem_shared>> -> memref<2048x128xf32, #tpu.memory_space<vmem_shared>>
    tpu.wait_indirect_dma semaphore(%arg21 : memref<!tpu.dma_semaphore, #tpu.memory_space<semaphore_mem>>) src(%dma_wait3A_708 : memref<128x128xf32, #tpu.memory_space<vmem>>) dst(%dma_wait3A_714 : memref<2048x128xf32, #tpu.memory_space<vmem_shared>>)
    %dma_wait3A_715 = arith.constant 5 : i32
    %dma_wait3A_716 = arith.constant 11 : i32
    %dma_wait3A_717 = arith.constant 0 : i32
    %dma_wait3A_718 = arith.constant 0 : i32
    %dma_wait3A_719 = tpu.memref_slice %arg9[%dma_wait3A_715, %dma_wait3A_717, %dma_wait3A_718] : memref<6x128x128xf32, #tpu.memory_space<vmem>> -> memref<1x128x128xf32, #tpu.memory_space<vmem>>
    %dma_wait3A_720 = tpu.memref_squeeze %dma_wait3A_719 : memref<1x128x128xf32, #tpu.memory_space<vmem>> -> memref<128x128xf32, #tpu.memory_space<vmem>>
    %dma_wait3A_721 = arith.constant 0 : i32
    %dma_wait3A_722 = tpu.memref_slice %arg8[%dma_wait3A_716, %dma_wait3A_721] : memref<16x128xi32, #tpu.memory_space<vmem>> -> memref<1x128xi32, #tpu.memory_space<vmem>>
    %dma_wait3A_723 = tpu.memref_squeeze %dma_wait3A_722 : memref<1x128xi32, #tpu.memory_space<vmem>> -> memref<128xi32, #tpu.memory_space<vmem>>
    %dma_wait3A_724 = arith.constant 0 : i32
    %dma_wait3A_725 = arith.constant 0 : i32
    %dma_wait3A_726 = tpu.memref_slice %arg10[%dma_wait3A_724, %dma_wait3A_725] : memref<2048x128xf32, #tpu.memory_space<vmem_shared>> -> memref<2048x128xf32, #tpu.memory_space<vmem_shared>>
    tpu.wait_indirect_dma semaphore(%arg22 : memref<!tpu.dma_semaphore, #tpu.memory_space<semaphore_mem>>) src(%dma_wait3A_720 : memref<128x128xf32, #tpu.memory_space<vmem>>) dst(%dma_wait3A_726 : memref<2048x128xf32, #tpu.memory_space<vmem_shared>>)
    %dma_wait3A_727 = arith.constant 0 : i32
    %dma_wait3A_728 = arith.constant 12 : i32
    %dma_wait3A_729 = arith.constant 0 : i32
    %dma_wait3A_730 = arith.constant 0 : i32
    %dma_wait3A_731 = tpu.memref_slice %arg9[%dma_wait3A_727, %dma_wait3A_729, %dma_wait3A_730] : memref<6x128x128xf32, #tpu.memory_space<vmem>> -> memref<1x128x128xf32, #tpu.memory_space<vmem>>
    %dma_wait3A_732 = tpu.memref_squeeze %dma_wait3A_731 : memref<1x128x128xf32, #tpu.memory_space<vmem>> -> memref<128x128xf32, #tpu.memory_space<vmem>>
    %dma_wait3A_733 = arith.constant 0 : i32
    %dma_wait3A_734 = tpu.memref_slice %arg8[%dma_wait3A_728, %dma_wait3A_733] : memref<16x128xi32, #tpu.memory_space<vmem>> -> memref<1x128xi32, #tpu.memory_space<vmem>>
    %dma_wait3A_735 = tpu.memref_squeeze %dma_wait3A_734 : memref<1x128xi32, #tpu.memory_space<vmem>> -> memref<128xi32, #tpu.memory_space<vmem>>
    %dma_wait3A_736 = arith.constant 0 : i32
    %dma_wait3A_737 = arith.constant 0 : i32
    %dma_wait3A_738 = tpu.memref_slice %arg10[%dma_wait3A_736, %dma_wait3A_737] : memref<2048x128xf32, #tpu.memory_space<vmem_shared>> -> memref<2048x128xf32, #tpu.memory_space<vmem_shared>>
    tpu.wait_indirect_dma semaphore(%arg17 : memref<!tpu.dma_semaphore, #tpu.memory_space<semaphore_mem>>) src(%dma_wait3A_732 : memref<128x128xf32, #tpu.memory_space<vmem>>) dst(%dma_wait3A_738 : memref<2048x128xf32, #tpu.memory_space<vmem_shared>>)
    %dma_wait3A_739 = arith.constant 1 : i32
    %dma_wait3A_740 = arith.constant 13 : i32
    %dma_wait3A_741 = arith.constant 0 : i32
    %dma_wait3A_742 = arith.constant 0 : i32
    %dma_wait3A_743 = tpu.memref_slice %arg9[%dma_wait3A_739, %dma_wait3A_741, %dma_wait3A_742] : memref<6x128x128xf32, #tpu.memory_space<vmem>> -> memref<1x128x128xf32, #tpu.memory_space<vmem>>
    %dma_wait3A_744 = tpu.memref_squeeze %dma_wait3A_743 : memref<1x128x128xf32, #tpu.memory_space<vmem>> -> memref<128x128xf32, #tpu.memory_space<vmem>>
    %dma_wait3A_745 = arith.constant 0 : i32
    %dma_wait3A_746 = tpu.memref_slice %arg8[%dma_wait3A_740, %dma_wait3A_745] : memref<16x128xi32, #tpu.memory_space<vmem>> -> memref<1x128xi32, #tpu.memory_space<vmem>>
    %dma_wait3A_747 = tpu.memref_squeeze %dma_wait3A_746 : memref<1x128xi32, #tpu.memory_space<vmem>> -> memref<128xi32, #tpu.memory_space<vmem>>
    %dma_wait3A_748 = arith.constant 0 : i32
    %dma_wait3A_749 = arith.constant 0 : i32
    %dma_wait3A_750 = tpu.memref_slice %arg10[%dma_wait3A_748, %dma_wait3A_749] : memref<2048x128xf32, #tpu.memory_space<vmem_shared>> -> memref<2048x128xf32, #tpu.memory_space<vmem_shared>>
    tpu.wait_indirect_dma semaphore(%arg18 : memref<!tpu.dma_semaphore, #tpu.memory_space<semaphore_mem>>) src(%dma_wait3A_744 : memref<128x128xf32, #tpu.memory_space<vmem>>) dst(%dma_wait3A_750 : memref<2048x128xf32, #tpu.memory_space<vmem_shared>>)
    %dma_wait3A_751 = arith.constant 2 : i32
    %dma_wait3A_752 = arith.constant 14 : i32
    %dma_wait3A_753 = arith.constant 0 : i32
    %dma_wait3A_754 = arith.constant 0 : i32
    %dma_wait3A_755 = tpu.memref_slice %arg9[%dma_wait3A_751, %dma_wait3A_753, %dma_wait3A_754] : memref<6x128x128xf32, #tpu.memory_space<vmem>> -> memref<1x128x128xf32, #tpu.memory_space<vmem>>
    %dma_wait3A_756 = tpu.memref_squeeze %dma_wait3A_755 : memref<1x128x128xf32, #tpu.memory_space<vmem>> -> memref<128x128xf32, #tpu.memory_space<vmem>>
    %dma_wait3A_757 = arith.constant 0 : i32
    %dma_wait3A_758 = tpu.memref_slice %arg8[%dma_wait3A_752, %dma_wait3A_757] : memref<16x128xi32, #tpu.memory_space<vmem>> -> memref<1x128xi32, #tpu.memory_space<vmem>>
    %dma_wait3A_759 = tpu.memref_squeeze %dma_wait3A_758 : memref<1x128xi32, #tpu.memory_space<vmem>> -> memref<128xi32, #tpu.memory_space<vmem>>
    %dma_wait3A_760 = arith.constant 0 : i32
    %dma_wait3A_761 = arith.constant 0 : i32
    %dma_wait3A_762 = tpu.memref_slice %arg10[%dma_wait3A_760, %dma_wait3A_761] : memref<2048x128xf32, #tpu.memory_space<vmem_shared>> -> memref<2048x128xf32, #tpu.memory_space<vmem_shared>>
    tpu.wait_indirect_dma semaphore(%arg19 : memref<!tpu.dma_semaphore, #tpu.memory_space<semaphore_mem>>) src(%dma_wait3A_756 : memref<128x128xf32, #tpu.memory_space<vmem>>) dst(%dma_wait3A_762 : memref<2048x128xf32, #tpu.memory_space<vmem_shared>>)
    %dma_wait3A_763 = arith.constant 3 : i32
    %dma_wait3A_764 = arith.constant 15 : i32
    %dma_wait3A_765 = arith.constant 0 : i32
    %dma_wait3A_766 = arith.constant 0 : i32
    %dma_wait3A_767 = tpu.memref_slice %arg9[%dma_wait3A_763, %dma_wait3A_765, %dma_wait3A_766] : memref<6x128x128xf32, #tpu.memory_space<vmem>> -> memref<1x128x128xf32, #tpu.memory_space<vmem>>
    %dma_wait3A_768 = tpu.memref_squeeze %dma_wait3A_767 : memref<1x128x128xf32, #tpu.memory_space<vmem>> -> memref<128x128xf32, #tpu.memory_space<vmem>>
    %dma_wait3A_769 = arith.constant 0 : i32
    %dma_wait3A_770 = tpu.memref_slice %arg8[%dma_wait3A_764, %dma_wait3A_769] : memref<16x128xi32, #tpu.memory_space<vmem>> -> memref<1x128xi32, #tpu.memory_space<vmem>>
    %dma_wait3A_771 = tpu.memref_squeeze %dma_wait3A_770 : memref<1x128xi32, #tpu.memory_space<vmem>> -> memref<128xi32, #tpu.memory_space<vmem>>
    %dma_wait3A_772 = arith.constant 0 : i32
    %dma_wait3A_773 = arith.constant 0 : i32
    %dma_wait3A_774 = tpu.memref_slice %arg10[%dma_wait3A_772, %dma_wait3A_773] : memref<2048x128xf32, #tpu.memory_space<vmem_shared>> -> memref<2048x128xf32, #tpu.memory_space<vmem_shared>>
    tpu.wait_indirect_dma semaphore(%arg20 : memref<!tpu.dma_semaphore, #tpu.memory_space<semaphore_mem>>) src(%dma_wait3A_768 : memref<128x128xf32, #tpu.memory_space<vmem>>) dst(%dma_wait3A_774 : memref<2048x128xf32, #tpu.memory_space<vmem_shared>>)
    %barrier3A_775 = arith.constant 0 : index
    tpu.barrier barrier_id(%barrier3A_775)
    %mul3A_776 = arith.constant 128 : i32
    %mul3A_777 = arith.muli %arg1, %mul3A_776 : i32
    %mul3A_778 = arith.constant 128 : i32
    %mul3A_779 = arith.muli %arg1, %mul3A_778 : i32
    "tpu.region"() ({
      %run_scoped3A = tpu.sem_alloc : memref<!tpu.dma_semaphore, #tpu.memory_space<semaphore_mem>>
      %dma_start3A_780 = arith.constant 0 : i32
      %dma_start3A_781 = tpu.memref_slice %arg6[%arg0, %mul3A_779, %dma_start3A_780] : memref<2x2048x128xf32, #tpu.memory_space<hbm>> -> memref<1x128x128xf32, #tpu.memory_space<hbm>>
      %dma_start3A_782 = tpu.memref_squeeze %dma_start3A_781 : memref<1x128x128xf32, #tpu.memory_space<hbm>> -> memref<128x128xf32, #tpu.memory_space<hbm>>
      %dma_start3A_783 = arith.constant 0 : i32
      %dma_start3A_784 = tpu.memref_slice %arg10[%mul3A_777, %dma_start3A_783] : memref<2048x128xf32, #tpu.memory_space<vmem_shared>> -> memref<128x128xf32, #tpu.memory_space<vmem_shared>>
      tpu.enqueue_dma source(%dma_start3A_784 : memref<128x128xf32, #tpu.memory_space<vmem_shared>>) target(%dma_start3A_782 : memref<128x128xf32, #tpu.memory_space<hbm>>) target_semaphore(%run_scoped3A : memref<!tpu.dma_semaphore, #tpu.memory_space<semaphore_mem>>)
      %dma_wait3A_785 = arith.constant 0 : i32
      %dma_wait3A_786 = tpu.memref_slice %arg6[%arg0, %mul3A_779, %dma_wait3A_785] : memref<2x2048x128xf32, #tpu.memory_space<hbm>> -> memref<1x128x128xf32, #tpu.memory_space<hbm>>
      %dma_wait3A_787 = tpu.memref_squeeze %dma_wait3A_786 : memref<1x128x128xf32, #tpu.memory_space<hbm>> -> memref<128x128xf32, #tpu.memory_space<hbm>>
      %dma_wait3A_788 = arith.constant 0 : i32
      %dma_wait3A_789 = tpu.memref_slice %arg10[%mul3A_777, %dma_wait3A_788] : memref<2048x128xf32, #tpu.memory_space<vmem_shared>> -> memref<128x128xf32, #tpu.memory_space<vmem_shared>>
      tpu.wait_dma2 semaphore(%run_scoped3A : memref<!tpu.dma_semaphore, #tpu.memory_space<semaphore_mem>>) src(%dma_wait3A_789 : memref<128x128xf32, #tpu.memory_space<vmem_shared>>) dst(%dma_wait3A_787 : memref<128x128xf32, #tpu.memory_space<hbm>>)
      tpu.yield
    }) : () -> ()
    return
  }
}

module attributes {stable_mosaic.version = 14 : i64} {
  func.func @body(%arg0: memref<2x2048x128xf32, #tpu.memory_space<vmem>>, %arg1: memref<2048x128xf32, #tpu.memory_space<vmem>>, %arg2: memref<2048x1xf32, #tpu.memory_space<vmem>>, %arg3: memref<1x32xf32, #tpu.memory_space<vmem>>, %arg4: memref<2048x32xf32, #tpu.memory_space<vmem>>) attributes {dimension_semantics = [], scalar_prefetch = 0 : i64, scratch_operands = 0 : i64, tpu.core_type = #tpu.core_type<tc>} {
    %get3A = arith.constant 0 : index
    %get3A_0 = arith.constant 0 : index
    %get3A_1 = arith.constant 0 : index
    %get3A_2 = vector.load %arg0[%get3A, %get3A_0, %get3A_1] : memref<2x2048x128xf32, #tpu.memory_space<vmem>>, vector<1x2048x32xf32>
    %get3A_3 = vector.shape_cast %get3A_2 : vector<1x2048x32xf32> to vector<2048x32xf32>
    %get3A_4 = arith.constant 1 : index
    %get3A_5 = arith.constant 0 : index
    %get3A_6 = arith.constant 0 : index
    %get3A_7 = vector.load %arg0[%get3A_4, %get3A_5, %get3A_6] : memref<2x2048x128xf32, #tpu.memory_space<vmem>>, vector<1x2048x32xf32>
    %get3A_8 = vector.shape_cast %get3A_7 : vector<1x2048x32xf32> to vector<2048x32xf32>
    %add3A = arith.addf %get3A_3, %get3A_8 : vector<2048x32xf32>
    %get3A_9 = arith.constant 0 : index
    %get3A_10 = arith.constant 0 : index
    %get3A_11 = vector.load %arg1[%get3A_9, %get3A_10] : memref<2048x128xf32, #tpu.memory_space<vmem>>, vector<2048x32xf32>
    %add3A_12 = arith.addf %add3A, %get3A_11 : vector<2048x32xf32>
    %get3A_13 = arith.constant 0 : index
    %get3A_14 = arith.constant 0 : index
    %get3A_15 = vector.load %arg2[%get3A_13, %get3A_14] : memref<2048x1xf32, #tpu.memory_space<vmem>>, vector<2048x1xf32>
    %mul3A = vector.broadcast %get3A_15 : vector<2048x1xf32> to vector<2048x32xf32>
    %mul3A_16 = arith.mulf %add3A_12, %mul3A : vector<2048x32xf32>
    %get3A_17 = arith.constant 0 : index
    %get3A_18 = arith.constant 0 : index
    %get3A_19 = vector.load %arg3[%get3A_17, %get3A_18] : memref<1x32xf32, #tpu.memory_space<vmem>>, vector<1x32xf32>
    %add3A_20 = vector.broadcast %get3A_19 : vector<1x32xf32> to vector<2048x32xf32>
    %add3A_21 = arith.addf %mul3A_16, %add3A_20 : vector<2048x32xf32>
    %max3A = arith.constant 0.000000e+00 : f32
    %max3A_22 = vector.broadcast %max3A : f32 to vector<2048x32xf32>
    %max3A_23 = arith.maximumf %add3A_21, %max3A_22 : vector<2048x32xf32>
    %swap3A = arith.constant 0 : index
    %swap3A_24 = arith.constant 0 : index
    %swap3A_25 = vector.load %arg4[%swap3A, %swap3A_24] : memref<2048x32xf32, #tpu.memory_space<vmem>>, vector<2048x32xf32>
    tpu.vector_store %arg4[%swap3A, %swap3A_24], %max3A_23 {strides = array<i32>} : memref<2048x32xf32, #tpu.memory_space<vmem>>, vector<2048x32xf32>,
    return
  }
}

module attributes {stable_mosaic.version = 14 : i64} {
  func.func @body(%arg0: memref<32x2048xf32, #tpu.memory_space<vmem>>, %arg1: memref<2048x32xf32, #tpu.memory_space<vmem>>, %arg2: memref<32x32xf32, #tpu.memory_space<vmem>>, %arg3: memref<32x1xf32, #tpu.memory_space<vmem>>, %arg4: memref<2048x128xf32, #tpu.memory_space<vmem>>, %arg5: memref<2048x1xf32, #tpu.memory_space<vmem>>) attributes {dimension_semantics = [], scalar_prefetch = 0 : i64, scratch_operands = 0 : i64, tpu.core_type = #tpu.core_type<tc>} {
    %get3A = arith.constant 0 : index
    %get3A_0 = arith.constant 0 : index
    %get3A_1 = vector.load %arg0[%get3A, %get3A_0] : memref<32x2048xf32, #tpu.memory_space<vmem>>, vector<32x2048xf32>
    %get3A_2 = arith.constant 0 : index
    %get3A_3 = arith.constant 0 : index
    %get3A_4 = vector.load %arg3[%get3A_2, %get3A_3] : memref<32x1xf32, #tpu.memory_space<vmem>>, vector<32x1xf32>
    %dot_general3A = arith.constant dense<0.000000e+00> : vector<2048x1xf32>
    %dot_general3A_5 = tpu.matmul %get3A_1, %get3A_4, %dot_general3A {dimension_numbers = #tpu.dot_dimension_numbers<[0], [0], [1], [1], [0, 1, 1, 1], [], []>, precision = #tpu.contract_precision<fp32>, transpose_lhs_hint = false} : vector<32x2048xf32>, vector<32x1xf32>, vector<2048x1xf32> -> vector<2048x1xf32>
    %add3A = arith.constant 1.000000e+00 : f32
    %add3A_6 = vector.broadcast %add3A : f32 to vector<2048x1xf32>
    %add3A_7 = arith.addf %dot_general3A_5, %add3A_6 : vector<2048x1xf32>
    %rsqrt3A = math.rsqrt %add3A_7 : vector<2048x1xf32>
    %get3A_8 = arith.constant 0 : index
    %get3A_9 = arith.constant 0 : index
    %get3A_10 = vector.load %arg1[%get3A_8, %get3A_9] : memref<2048x32xf32, #tpu.memory_space<vmem>>, vector<2048x32xf32>
    %get3A_11 = arith.constant 0 : index
    %get3A_12 = arith.constant 0 : index
    %get3A_13 = vector.load %arg2[%get3A_11, %get3A_12] : memref<32x32xf32, #tpu.memory_space<vmem>>, vector<32x32xf32>
    %dot_general3A_14 = arith.constant dense<0.000000e+00> : vector<2048x32xf32>
    %dot_general3A_15 = tpu.matmul %get3A_10, %get3A_13, %dot_general3A_14 {dimension_numbers = #tpu.dot_dimension_numbers<[1], [1], [0], [0], [0, 0, 1, 0], [], []>, precision = #tpu.contract_precision<fp32>, transpose_lhs_hint = false} : vector<2048x32xf32>, vector<32x32xf32>, vector<2048x32xf32> -> vector<2048x32xf32>
    %mul3A = vector.broadcast %rsqrt3A : vector<2048x1xf32> to vector<2048x32xf32>
    %mul3A_16 = arith.mulf %dot_general3A_15, %mul3A : vector<2048x32xf32>
    %swap3A = arith.constant 0 : index
    %swap3A_17 = arith.constant 0 : index
    %swap3A_18 = vector.load %arg4[%swap3A, %swap3A_17] : memref<2048x128xf32, #tpu.memory_space<vmem>>, vector<2048x32xf32>
    tpu.vector_store %arg4[%swap3A, %swap3A_17], %mul3A_16 {strides = array<i32>} : memref<2048x128xf32, #tpu.memory_space<vmem>>, vector<2048x32xf32>,
    %broadcast_in_dim3A = arith.constant 0.000000e+00 : f32
    %broadcast_in_dim3A_19 = vector.broadcast %broadcast_in_dim3A : f32 to vector<2048x96xf32>
    %swap3A_20 = arith.constant 0 : index
    %swap3A_21 = arith.constant 32 : index
    %swap3A_22 = vector.load %arg4[%swap3A_20, %swap3A_21] : memref<2048x128xf32, #tpu.memory_space<vmem>>, vector<2048x96xf32>
    tpu.vector_store %arg4[%swap3A_20, %swap3A_21], %broadcast_in_dim3A_19 {strides = array<i32>} : memref<2048x128xf32, #tpu.memory_space<vmem>>, vector<2048x96xf32>,
    %swap3A_23 = arith.constant 0 : index
    %swap3A_24 = arith.constant 0 : index
    %swap3A_25 = vector.load %arg5[%swap3A_23, %swap3A_24] : memref<2048x1xf32, #tpu.memory_space<vmem>>, vector<2048x1xf32>
    tpu.vector_store %arg5[%swap3A_23, %swap3A_24], %rsqrt3A {strides = array<i32>} : memref<2048x1xf32, #tpu.memory_space<vmem>>, vector<2048x1xf32>,
    return
  }
}

module attributes {stable_mosaic.version = 14 : i64} {
  func.func @body(%arg0: i32, %arg1: memref<16x4096xf32, #tpu.memory_space<vmem>>, %arg2: memref<512x4096xf32, #tpu.memory_space<vmem>>, %arg3: memref<1x512xf32, #tpu.memory_space<vmem>>, %arg4: memref<10x512xf32, #tpu.memory_space<vmem>>, %arg5: memref<1x10xf32, #tpu.memory_space<vmem>>, %arg6: memref<16x10xf32, #tpu.memory_space<vmem>>) attributes {dimension_semantics = [#tpu.dimension_semantics<arbitrary>], iteration_bounds = array<i64: 8>, scalar_prefetch = 0 : i64, scratch_operands = 0 : i64, tpu.core_type = #tpu.core_type<tc>, window_params = [{pipeline_mode = #tpu.pipeline_mode<synchronous>, transform_indices = @transform_0, window_bounds = array<i64: 16, 4096>}, {transform_indices = @transform_1, window_bounds = array<i64: 512, 4096>}, {transform_indices = @transform_2, window_bounds = array<i64: 1, 512>}, {transform_indices = @transform_3, window_bounds = array<i64: 10, 512>}, {pipeline_mode = #tpu.pipeline_mode<synchronous>, transform_indices = @transform_4, window_bounds = array<i64: 1, 10>}, {pipeline_mode = #tpu.pipeline_mode<synchronous>, transform_indices = @transform_5, window_bounds = array<i64: 16, 10>}]} {
    %get3A = arith.constant 0 : index
    %get3A_0 = arith.constant 0 : index
    %get3A_1 = vector.load %arg1[%get3A, %get3A_0] : memref<16x4096xf32, #tpu.memory_space<vmem>>, vector<16x4096xf32>
    %get3A_2 = arith.constant 0 : index
    %get3A_3 = arith.constant 0 : index
    %get3A_4 = vector.load %arg2[%get3A_2, %get3A_3] : memref<512x4096xf32, #tpu.memory_space<vmem>>, vector<512x4096xf32>
    %dot_general3A = arith.constant dense<0.000000e+00> : vector<16x512xf32>
    %dot_general3A_5 = tpu.matmul %get3A_1, %get3A_4, %dot_general3A {dimension_numbers = #tpu.dot_dimension_numbers<[1], [1], [0], [0], [0, 0, 1, 0], [], []>, transpose_lhs_hint = false} : vector<16x4096xf32>, vector<512x4096xf32>, vector<16x512xf32> -> vector<16x512xf32>
    %get3A_6 = arith.constant 0 : index
    %get3A_7 = arith.constant 0 : index
    %get3A_8 = vector.load %arg3[%get3A_6, %get3A_7] : memref<1x512xf32, #tpu.memory_space<vmem>>, vector<1x512xf32>
    %add3A = vector.broadcast %get3A_8 : vector<1x512xf32> to vector<16x512xf32>
    %add3A_9 = arith.addf %dot_general3A_5, %add3A : vector<16x512xf32>
    %max3A = arith.constant 0.000000e+00 : f32
    %max3A_10 = vector.broadcast %max3A : f32 to vector<16x512xf32>
    %max3A_11 = arith.maximumf %add3A_9, %max3A_10 : vector<16x512xf32>
    %get3A_12 = arith.constant 0 : index
    %get3A_13 = arith.constant 0 : index
    %get3A_14 = vector.load %arg4[%get3A_12, %get3A_13] : memref<10x512xf32, #tpu.memory_space<vmem>>, vector<10x512xf32>
    %dot_general3A_15 = arith.constant dense<0.000000e+00> : vector<16x10xf32>
    %dot_general3A_16 = tpu.matmul %max3A_11, %get3A_14, %dot_general3A_15 {dimension_numbers = #tpu.dot_dimension_numbers<[1], [1], [0], [0], [0, 0, 1, 0], [], []>, transpose_lhs_hint = false} : vector<16x512xf32>, vector<10x512xf32>, vector<16x10xf32> -> vector<16x10xf32>
    %eq3A = arith.constant 0 : i32
    %eq3A_17 = arith.cmpi eq, %arg0, %eq3A : i32
    %convert_element_type3A = arith.extui %eq3A_17 : i1 to i32
    %cond3A = arith.constant 0 : i32
    %cond3A_18 = arith.cmpi ne, %convert_element_type3A, %cond3A : i32
    scf.if %cond3A_18 {
      %get3A_28 = arith.constant 0 : index
      %get3A_29 = arith.constant 0 : index
      %get3A_30 = vector.load %arg5[%get3A_28, %get3A_29] : memref<1x10xf32, #tpu.memory_space<vmem>>, vector<1x10xf32>
      %add3A_31 = vector.broadcast %get3A_30 : vector<1x10xf32> to vector<16x10xf32>
      %add3A_32 = arith.addf %dot_general3A_16, %add3A_31 : vector<16x10xf32>
      %swap3A = arith.constant 0 : index
      %swap3A_33 = arith.constant 0 : index
      %swap3A_34 = vector.load %arg6[%swap3A, %swap3A_33] : memref<16x10xf32, #tpu.memory_space<vmem>>, vector<16x10xf32>
      tpu.vector_store %arg6[%swap3A, %swap3A_33], %add3A_32 {strides = array<i32>} : memref<16x10xf32, #tpu.memory_space<vmem>>, vector<16x10xf32>,
    } else {
    }
    %gt3A = arith.constant 0 : i32
    %gt3A_19 = arith.cmpi sgt, %arg0, %gt3A : i32
    %convert_element_type3A_20 = arith.extui %gt3A_19 : i1 to i32
    %cond3A_21 = arith.constant 0 : i32
    %cond3A_22 = arith.cmpi ne, %convert_element_type3A_20, %cond3A_21 : i32
    scf.if %cond3A_22 {
      %get3A_28 = arith.constant 0 : index
      %get3A_29 = arith.constant 0 : index
      %get3A_30 = vector.load %arg6[%get3A_28, %get3A_29] : memref<16x10xf32, #tpu.memory_space<vmem>>, vector<16x10xf32>
      %add3A_31 = arith.addf %get3A_30, %dot_general3A_16 : vector<16x10xf32>
      %swap3A = arith.constant 0 : index
      %swap3A_32 = arith.constant 0 : index
      %swap3A_33 = vector.load %arg6[%swap3A, %swap3A_32] : memref<16x10xf32, #tpu.memory_space<vmem>>, vector<16x10xf32>
      tpu.vector_store %arg6[%swap3A, %swap3A_32], %add3A_31 {strides = array<i32>} : memref<16x10xf32, #tpu.memory_space<vmem>>, vector<16x10xf32>,
    } else {
    }
    %eq3A_23 = arith.constant 7 : i32
    %eq3A_24 = arith.cmpi eq, %arg0, %eq3A_23 : i32
    %convert_element_type3A_25 = arith.extui %eq3A_24 : i1 to i32
    %cond3A_26 = arith.constant 0 : i32
    %cond3A_27 = arith.cmpi ne, %convert_element_type3A_25, %cond3A_26 : i32
    scf.if %cond3A_27 {
      %get3A_28 = arith.constant 0 : index
      %get3A_29 = arith.constant 0 : index
      %get3A_30 = vector.load %arg6[%get3A_28, %get3A_29] : memref<16x10xf32, #tpu.memory_space<vmem>>, vector<16x10xf32>
      %reduce_max3A = arith.constant dense<0xFF800000> : vector<16xf32>
      %reduce_max3A_31 = vector.multi_reduction <maximumf>, %get3A_30, %reduce_max3A [1] : vector<16x10xf32> to vector<16xf32>
      %broadcast_in_dim3A = vector.shape_cast %reduce_max3A_31 : vector<16xf32> to vector<16x1xf32>
      %sub3A = vector.broadcast %broadcast_in_dim3A : vector<16x1xf32> to vector<16x10xf32>
      %sub3A_32 = arith.subf %get3A_30, %sub3A : vector<16x10xf32>
      %exp3A = math.exp %sub3A_32 : vector<16x10xf32>
      %reduce_sum3A = arith.constant dense<0.000000e+00> : vector<16xf32>
      %reduce_sum3A_33 = vector.multi_reduction <add>, %exp3A, %reduce_sum3A [1] : vector<16x10xf32> to vector<16xf32>
      %broadcast_in_dim3A_34 = vector.shape_cast %reduce_sum3A_33 : vector<16xf32> to vector<16x1xf32>
      %div3A = vector.broadcast %broadcast_in_dim3A_34 : vector<16x1xf32> to vector<16x10xf32>
      %div3A_35 = arith.divf %exp3A, %div3A : vector<16x10xf32>
      %swap3A = arith.constant 0 : index
      %swap3A_36 = arith.constant 0 : index
      %swap3A_37 = vector.load %arg6[%swap3A, %swap3A_36] : memref<16x10xf32, #tpu.memory_space<vmem>>, vector<16x10xf32>
      tpu.vector_store %arg6[%swap3A, %swap3A_36], %div3A_35 {strides = array<i32>} : memref<16x10xf32, #tpu.memory_space<vmem>>, vector<16x10xf32>,
    } else {
    }
    return
  }
  func.func @transform_0(%arg0: i32) -> (i32, i32) {
    %c0_i32 = arith.constant 0 : i32
    %c0_i32_0 = arith.constant 0 : i32
    %c0_i32_1 = arith.constant 0 : i32
    return %c0_i32, %c0_i32_0 : i32, i32
  }
  func.func @transform_1(%arg0: i32) -> (i32, i32) {
    %c0_i32 = arith.constant 0 : i32
    %c0_i32_0 = arith.constant 0 : i32
    return %arg0, %c0_i32 : i32, i32
  }
  func.func @transform_2(%arg0: i32) -> (i32, i32) {
    %c0_i32 = arith.constant 0 : i32
    %c0_i32_0 = arith.constant 0 : i32
    return %c0_i32, %arg0 : i32, i32
  }
  func.func @transform_3(%arg0: i32) -> (i32, i32) {
    %c0_i32 = arith.constant 0 : i32
    %c0_i32_0 = arith.constant 0 : i32
    return %c0_i32, %arg0 : i32, i32
  }
  func.func @transform_4(%arg0: i32) -> (i32, i32) {
    %c0_i32 = arith.constant 0 : i32
    %c0_i32_0 = arith.constant 0 : i32
    %c0_i32_1 = arith.constant 0 : i32
    return %c0_i32, %c0_i32_0 : i32, i32
  }
  func.func @transform_5(%arg0: i32) -> (i32, i32) {
    %c0_i32 = arith.constant 0 : i32
    %c0_i32_0 = arith.constant 0 : i32
    %c0_i32_1 = arith.constant 0 : i32
    return %c0_i32, %c0_i32_0 : i32, i32
  }
}

</mosaic_0001>

<sc_bundles>
// kernel: kernel.10.cloned.1.call-start
scs
__scs_entry_jumppad:
0x0: {  	(pc) =	sbr.rel $0x88, $3  }
0x1: {  	(tag) =	ssettag $0x0;
	lr =	simm.s32 $0x1  }
0x2: {  	[smem:$0x3F99] =	sst lr;
	_ =	strace $0xD0000000  }
0x3: {  	_ = 	snop  }
0x4: {  	_ = 	snop  }
0x5: {  	_ = 	snop  }
0x6: {  	_ = 	snop  }
0x7: {  	_ = 	snop  }
__scs_overlays_trampoline_lowered:
0x8: {  	[smem:$0x3FA8] =	sst s0  }
0x9: {  	[smem:$0x3FA9] =	sst s1  }
0xa: {  	[smem:$0x3FAA] =	sst s2  }
0xb: {  	[smem:$0x3FAB] =	sst s3  }
0xc: {  	[smem:$0x3FAC] =	sst s4  }
0xd: {  	[smem:$0x3FAD] =	sst s5  }
0xe: {  	[smem:$0x3FAE] =	sst s6  }
0xf: {  	[smem:$0x3FAF] =	sst s7  }
0x10: {  	[smem:$0x3FB0] =	sst s8  }
0x11: {  	[smem:$0x3FB1] =	sst s9;
	s0 =	simm.s32 @!p0 $0x0  }
0x12: {  	s1 =	sld [smem:$0x3F97];
	s0 =	simm.s32 @p0 $0x1  }
0x13: {  	[smem:$0x3FB2] =	sst s0;
	s0 =	simm.s32 @!p1 $0x0  }
0x14: {  	s2 =	sld [smem:$0x3F96];
	s0 =	simm.s32 @p1 $0x1  }
0x15: {  	[smem:$0x3FB3] =	sst s0;
	s0 =	simm.s32 @!p2 $0x0  }
0x16: {  	s3 =	sld [smem:$0x3FDB];
	s0 =	simm.s32 @p2 $0x1  }
0x17: {  	s4 =	simm.s32 $0x1BF5;
	[smem:$0x3FB5] =	sst s0  }
0x18: {  	s0 =	sld [smem:$0x3F98];
	_ =	swait.ge [sflag:s4], $0x0  }
0x19: {  	s7 =	sld [smem:$0x3F99]  }
0x1a: {  	s8 =	sadd.s32 $0xFFFFE003, lr  }
0x1b: {  	s9 =	sadd.s32 $0xFFFFFEF7, lr;
	s5 =	simm.s32 $0xFFFFFFFF;
	p2 =	slt.u32 s8, $0xFFFFF086  }
0x1c: {  	p1 =	slt.u32 s9, $0xF7A;
	s5 =	simm.s32 @!p2 $0x0  }
0x1d: {  	s5 =	simm.s32 @p1 $0x1;
	p0 =	seq.s32 s7, s2  }
0x1e: {  	s7 =	smul.u32 @!p0 $0xF7A, s2;
	p2 =	seq.s32 @!p0 s5, $0x0  }
0x1f: {  	s9 =	smul.u32 $0xF7A, s1;
	s8 =	simm.s32 @!p0 $0x1BF5;
	p2 =	por !p2, p0  }
0x20: {  	[sflag:s8] =	ssyncset.s32 @!p0 $0xFFFFF086;
	s6 =	sadd.s32 @!p0 s3, s7;
	s7 =	simm.s32 @!p0 $0x108  }
0x21: {  	s3 =	sadd.s32 s3, s9;
	s6 =	sadd.s32 @!p0 $0x88, s6;
	s7 =	simm.s32 @p2 $0x1082  }
0x22: {  	[simem:s7], [sflag:s8] =	dma.local @!p0 [hbm:s6], $0xF7A  }
0x23: {  	s9 =	sor.u32 $0xD0000000, s2;
	s6 =	simm.s32 $0x108;
	_ =	swait.ge @!p0 [sflag:s8], $0x0  }
0x24: {  	s3 =	sadd.s32 $0x88, s3;
	s6 =	simm.s32 @!p1 $0x1082;
	[sflag:s4] =	ssyncset.s32 $0xFFFFF086  }
0x25: {  	[simem:s6], [sflag:s4] =	dma.local [hbm:s3], $0xF7A  }
0x26: {  	[smem:$0x3F99] =	sst s1;
	(tag) =	ssettag s2;
	_ =	strace s9  }
0x27: {  	s1 =	sld [smem:$0x3FA9]  }
0x28: {  	s2 =	sld [smem:$0x3FAA]  }
0x29: {  	s4 =	sld [smem:$0x3FAC]  }
0x2a: {  	p0 =	seq.s32 s5, $0x0;
	s5 =	sld [smem:$0x3FAD]  }
0x2b: {  	s6 =	sld [smem:$0x3FAE]  }
0x2c: {  	s7 =	sld [smem:$0x3FAF]  }
0x2d: {  	s3 =	simm.s32 $0x108;
	s8 =	sld [smem:$0x3FB0]  }
0x2e: {  	s3 =	simm.s32 @!p0 $0x1082;
	s9 =	sld [smem:$0x3FB1]  }
0x2f: {  	lr =	sadd.s32 s0, s3;
	s0 =	sld [smem:$0x3FA8]  }
0x30: {  	s3 =	sld [smem:$0x3FAB]  }
0x31: {  	[smem:$0x3FB4] =	sst s10  }
0x32: {  	s10 =	sld [smem:$0x3FB2];
	_ =	sdelay $0x3  }
0x33: {  	p0 =	seq.s32 s10, $0x1;
	s10 =	sld [smem:$0x3FB4];
	_ =	sdelay $0x3  }
0x34: {  	[smem:$0x3FB4] =	sst s10  }
0x35: {  	s10 =	sld [smem:$0x3FB3];
	_ =	sdelay $0x3  }
0x36: {  	p1 =	seq.s32 s10, $0x1;
	s10 =	sld [smem:$0x3FB4];
	_ =	sdelay $0x3  }
0x37: {  	[smem:$0x3FB4] =	sst s10  }
0x38: {  	s10 =	sld [smem:$0x3FB5]  }
0x39: {  	_ = 	snop;
	(pc) =	sbr.ind lr, $3  }
0x3a: {  	_ = 	snop  }
0x3b: {  	_ = 	snop  }
0x3c: {  	p2 =	seq.s32 s10, $0x1;
	s10 =	sld [smem:$0x3FB4]  }
0x3d: {  	_ =	shalt  }
0x3e: {  	_ =	shalt  }
0x3f: {  	_ =	shalt  }
0x40: {  	_ =	shalt  }
0x41: {  	_ =	shalt  }
0x42: {  	_ =	shalt  }
0x43: {  	_ =	shalt  }
0x44: {  	_ =	shalt  }
0x45: {  	_ =	shalt  }
0x46: {  	_ =	shalt  }
0x47: {  	_ =	shalt  }
0x48: {  	_ =	shalt  }
0x49: {  	_ =	shalt  }
0x4a: {  	_ =	shalt  }
0x4b: {  	_ =	shalt  }
0x4c: {  	_ =	shalt  }
0x4d: {  	_ =	shalt  }
0x4e: {  	_ =	shalt  }
0x4f: {  	_ =	shalt  }
0x50: {  	_ =	shalt  }
0x51: {  	_ =	shalt  }
0x52: {  	_ =	shalt  }
0x53: {  	_ =	shalt  }
0x54: {  	_ =	shalt  }
0x55: {  	_ =	shalt  }
0x56: {  	_ =	shalt  }
0x57: {  	_ =	shalt  }
0x58: {  	_ =	shalt  }
0x59: {  	_ =	shalt  }
0x5a: {  	_ =	shalt  }
0x5b: {  	_ =	shalt  }
0x5c: {  	_ =	shalt  }
0x5d: {  	_ =	shalt  }
0x5e: {  	_ =	shalt  }
0x5f: {  	_ =	shalt  }
0x60: {  	_ =	shalt  }
0x61: {  	_ =	shalt  }
0x62: {  	_ =	shalt  }
0x63: {  	_ =	shalt  }
0x64: {  	_ =	shalt  }
0x65: {  	_ =	shalt  }
0x66: {  	_ =	shalt  }
0x67: {  	_ =	shalt  }
0x68: {  	_ =	shalt  }
0x69: {  	_ =	shalt  }
0x6a: {  	_ =	shalt  }
0x6b: {  	_ =	shalt  }
0x6c: {  	_ =	shalt  }
0x6d: {  	_ =	shalt  }
0x6e: {  	_ =	shalt  }
0x6f: {  	_ =	shalt  }
0x70: {  	_ =	shalt  }
0x71: {  	_ =	shalt  }
0x72: {  	_ =	shalt  }
0x73: {  	_ =	shalt  }
0x74: {  	_ =	shalt  }
0x75: {  	_ =	shalt  }
0x76: {  	_ =	shalt  }
0x77: {  	_ =	shalt  }
0x78: {  	_ =	shalt  }
0x79: {  	_ =	shalt  }
0x7a: {  	_ =	shalt  }
0x7b: {  	_ =	shalt  }
0x7c: {  	_ =	shalt  }
0x7d: {  	_ =	shalt  }
0x7e: {  	_ =	shalt  }
0x7f: {  	_ =	shalt  }
0x80: {  	_ =	shalt  }
0x81: {  	_ =	shalt  }
0x82: {  	_ =	shalt  }
0x83: {  	_ =	shalt  }
0x84: {  	_ =	shalt  }
0x85: {  	_ =	shalt  }
0x86: {  	_ =	shalt  }
0x87: {  	_ =	shalt  }
.Lfunc_end0:
.L_simem_size_0:
called_computation.1_lowered:
.L_overlay_start_0:
0x88: {  	s2 =	sld [smem:$0x3FD9]  }
0x89: {  	s3 =	sld [smem:$0x3FFE];
	_ =	sdelay $0x1  }
0x8a: {  	s1 =	srdreg.scid  }
0x8b: {  	s0 =	sand.u32 $0x1, s1  }
0x8c: {  	s16 =	sshll.u32 s0, $0xA;
	s2 =	sadd.s32 s3, s2  }
0x8d: {  	s2 =	sadd.s32 s2, s16  }
0x8e: {  	[smem:$0x3FC0] =	sst s2  }
0x8f: {  	_ = 	snop  }
0x90: {  	(tm) =	ssettm $0x1  }
0x91: {  	s17 =	sld [smem:$0x3FFB];
	_ =	sdelay $0x3  }
0x92: {  	_ =	strace s17  }
0x93: {  	s2 =	sld [smem:$0x3FFC];
	_ =	sdelay $0x3  }
0x94: {  	_ =	strace s2  }
0x95: {  	s2 =	sld [smem:$0x3FFD];
	_ =	sdelay $0x3  }
0x96: {  	_ =	strace s2  }
0x97: {  	_ =	strace $0x8FFFFFFF  }
0x98: {  	s18 =	sld [smem:$0x3FDB];
	_ =	sdelay $0x1  }
0x99: {  	s19 =	simm.s32 $_scs_section_size  }
0x9a: {  	s4 =	simm.s32 $_size__tile_overlayer_lowered;
	s5 =	simm.s32 $_tile_overlayer_lowered  }
0x9b: {  	s22 =	simm.s32 $0x1BFF;
	s21 =	sshll.u32 s5, $0x1;
	s2 =	sadd.s32 s19, s18  }
0x9c: {  	s6 =	simm.s32 $0x0;
	s20 =	sshll.u32 s4, $0x1;
	s4 =	sadd.s32 s21, s2  }
0x9d: {  	[timem:s6], [sflag:s22] =	dma.local [hbm:s4], s20  }
0x9e: {  	_ =	swait.ge [sflag:s22], s20  }
0x9f: {  	s3 =	ssub.s32 $0x0, s20;
	[sflag:s22] =	ssyncset.done $0x0  }
0xa0: {  	[sflag:s22] =	ssyncadd.s32 s3;
	_ =	sdelay $0x1  }
0xa1: {  	s23 =	simm.s32 $0x1B8B  }
0xa2: {  	_ =	swait.ge [sflag:s23], $0x1  }
0xa3: {  	[sflag:s23] =	ssyncset.done $0x0  }
0xa4: {  	s25 =	simm.s32 $0x1B8E;
	s24 =	sld [smem:$0x3FFE];
	[sflag:s23] =	ssyncadd.s32 $0xFFFFFFFF  }
0xa5: {  	s26 =	simm.s32 $execute0_lowered;
	[smem:$0x3FD2] =	sst s25  }
0xa6: {  	s4 =	sshll.u32 s26, $0x1;
	_ =	strace $0x80000049;
	[dreg:$0x1] =	wrdreg $0xFFFFFFFF  }
0xa7: {  	s28 =	simm.s32 $_size_execute0_lowered;
	s2 =	sadd.s32 s2, s4;
	[dreg:$0x0] =	wrdreg $0x0  }
0xa8: {  	s4 =	sshll.u32 s28, $0x1;
	[dreg:$0x2] =	wrdreg s2  }
0xa9: {  	[dreg:$0x3] =	wrdreg s4  }
0xaa: {  	[dreg:$0x4] =	wrdreg $0xC0  }
0xab: {  	_ =	task [dreg:s6], $0x5FFFF  }
0xac: {  	[dreg:$0x1] =	wrdreg $0xFFFFFFFF  }
0xad: {  	[dreg:$0x0] =	wrdreg $0x60  }
0xae: {  	[dreg:$0x2] =	wrdreg s24  }
0xaf: {  	[dreg:$0x3] =	wrdreg $0x190000  }
0xb0: {  	[dreg:$0x4] =	wrdreg $0x9  }
0xb1: {  	_ =	task.clear_ibuf [dreg:s6], $0x5FFFF;
	_ =	strace $0x90000049  }
0xb2: {  	s29 =	simm.s32 $0x9;
	_ =	strace $0x8000004B  }
0xb3: {  	_ =	swait.ge [sflag:s29], $0x1  }
0xb4: {  	[sflag:s29] =	ssyncadd.s32 $0xFFFFFFFF  }
0xb5: {  	_ =	strace $0x9000004B  }
0xb6: {  	_ =	sfence  }
0xb7: {  	s30 =	sld [smem:$0x0];
	_ =	sdelay $0x2  }
0xb8: {  	s31 =	sshll.u32 s1, $0xD;
	s1 =	sshrl.u32 s1, $0x2  }
0xb9: {  	s3 =	sand.u32 $0x4000, s31;
	s1 =	sadd.s32 s1, s30  }
0xba: {  	s0 =	sor.u32 s3, s0;
	s1 =	sshll.u32 s1, $0x11  }
0xbb: {  	s0 =	sor.u32 s1, s0  }
0xbc: {  	s0 =	sadd.s32 $0x8F2B, s0  }
0xbd: {  	[sflag:s0] =	ssyncadd.remote.s32 $0x1  }
0xbe: {  	_ =	sfence.sel $0xFFFF  }
0xbf: {  	[dreg:$0x0] =	wrdreg $0xFFFFFFFF;
	(pc) =	sbr.abs _section_cstart, $3  }
0xc0: {  	[dreg:$0x1] =	wrdreg $0xFFFFFFFF  }
0xc1: {  	_ =	task.clear_ibuf [dreg:s6], $0x2FFFF;
	_ =	strace $0x9FFFFFFF  }
0xc2: {  	(tm) =	ssettm $0x7FFFFFFF  }
0xc3: {  	_ =	shalt  }
tec
execute0_lowered:
.L_overlay_start_1:
0x0: {  	(tag) =	ssettag $0x1  }
0x1: {  	s0 =	srdreg.scid;
	s1 =	rddreg [dreg:$0x0]  }
0x2: {  	s24 =	stileid.u32;
	s2 =	rddreg [dreg:$0x1];
	s30 =	simm.s32 $0x0  }
0x3: {  	s7 =	simm.s32 $0x200;
	s9 =	simm.s32 $0x880;
	[smem:$0x7FF] =	sst s30  }
0x4: {  	s11 =	simm.s32 $0x280;
	_ =	strace $0x8000004A;
	[dreg:$0x9] =	wrdreg s7  }
0x5: {  	s12 =	simm.s32 $0x900;
	s13 =	simm.s32 $0x300;
	[dreg:$0xa] =	wrdreg s9  }
0x6: {  	s31 =	simm.s32 $0x800;
	s14 =	simm.s32 $0x980;
	[dreg:$0xb] =	wrdreg s11  }
0x7: {  	s16 =	simm.s32 $0x380;
	s17 =	simm.s32 $0xA00;
	[dreg:$0xc] =	wrdreg s12  }
0x8: {  	s18 =	simm.s32 $0x400;
	s19 =	simm.s32 $0xA80;
	[dreg:$0xd] =	wrdreg s13  }
0x9: {  	s20 =	simm.s32 $0x480;
	s21 =	simm.s32 $0xB00;
	[dreg:$0xe] =	wrdreg s14  }
0xa: {  	s22 =	simm.s32 $0x500;
	s23 =	simm.s32 $0xB80;
	[dreg:$0xf] =	wrdreg s16  }
0xb: {  	s29 =	simm.s32 $0x5;
	s28 =	simm.s32 $0x6;
	[dreg:$0x10] =	wrdreg s17  }
0xc: {  	p0 =	por $0x0, $0x0;
	s0 =	sand.u32 $0x1, s0;
	[dreg:$0x11] =	wrdreg s18  }
0xd: {  	s4 =	sshll.u32 s24, $0xB;
	s8 =	sshll.u32 s24, $0xE;
	[dreg:$0x12] =	wrdreg s19  }
0xe: {  	s15 =	sshll.u32 s24, $0x6;
	s3 =	sshll.u32 s0, $0xF;
	[dreg:$0x13] =	wrdreg s20  }
0xf: {  	s0 =	ssub.s32 $0x2, s0;
	s10 =	sadd.s32 s8, s2;
	[dreg:$0x14] =	wrdreg s21  }
0x10: {  	s7 =	simm.s32 $0x80;
	s11 =	simm.s32 $0x1000;
	[dreg:$0x15] =	wrdreg s22  }
0x11: {  	s9 =	simm.s32 $0x9000;
	s8 =	simm.s32 $0xD000;
	[dreg:$0x16] =	wrdreg s23  }
0x12: {  	s23 =	simm.s32 $0x11000;
	s16 =	simm.s32 $0x2;
	s12 =	simm.s32 $0x600  }
0x13: {  	s20 =	simm.s32 $0x15000;
	s13 =	simm.s32 $0xC80;
	[dreg:$0x19] =	wrdreg s12  }
0x14: {  	s17 =	simm.s32 $0x3;
	s14 =	simm.s32 $0x680;
	[dreg:$0x1a] =	wrdreg s13  }
0x15: {  	s18 =	simm.s32 $0xD00;
	s19 =	simm.s32 $0x4;
	[dreg:$0x1b] =	wrdreg s14  }
0x16: {  	s21 =	simm.s32 $0x700;
	s22 =	simm.s32 $0xD80;
	[dreg:$0x1c] =	wrdreg s18  }
0x17: {  	s5 =	sor.u32 s4, s3;
	s4 =	sadd.s32 s4, s1;
	[dreg:$0x1d] =	wrdreg s21  }
0x18: {  	s12 =	simm.s32 $0x7;
	s13 =	simm.s32 $0x8;
	[dreg:$0x1e] =	wrdreg s22  }
0x19: {  	s14 =	simm.s32 $0x9;
	s18 =	simm.s32 $0xA;
	s22 =	simm.s32 $0xB  }
0x1a: {  	s21 =	simm.s32 $0xC;
	s5 =	sshrl.u32 s5, $0x3;
	s25 =	sadd.s32 $0x11E00, s4  }
0x1b: {  	s3 =	sadd.s32 s3, s4;
	s4 =	sshrl.u32 s0, $0x1;
	s5 =	sadd.s32 s5, s1  }
0x1c: {  	[dreg:$0x5] =	wrdreg s25;
	s26 =	sadd.s32 $0x19E00, s3;
	s3 =	simm.s32 $0x100  }
0x1d: {  	s0 =	ssub.s32 s0, s4;
	s4 =	sor.u32 $0x1C0D, s15;
	[dreg:$0x6] =	wrdreg s26  }
0x1e: {  	s15 =	simm.s32 $0x1;
	s25 =	simm.s32 $0x580;
	[dreg:$0x7] =	wrdreg s3  }
0x1f: {  	s6 =	sadd.s32 $0x3E00, s5;
	s5 =	sadd.s32 $0x7E00, s5;
	[dreg:$0x17] =	wrdreg s25  }
0x20: {  	[dreg:$0x3] =	wrdreg s6;
	s6 =	sadd.s32 $0x9E00, s1;
	s1 =	smax.u32 s0, $0x1  }
0x21: {  	s26 =	simm.s32 $0xC00;
	[dreg:$0x4] =	wrdreg s5;
	p1 =	sne.s32 s1, $0x1  }
.Ltmp0:
0x22: {  	s25 =	simm.s32 $0x780;
	[dreg:$0x18] =	wrdreg s26;
	(pc) =	sbr.rel @!p1 .LBB2_1-.Ltmp0, $4  }
0x23: {  	s3 =	simm.s32 $0xD;
	s5 =	simm.s32 $0x180;
	[dreg:$0x1f] =	wrdreg s25  }
0x24: {  	s26 =	simm.s32 $0xE00;
	s25 =	simm.s32 $0xF80;
	[dreg:$0x8] =	wrdreg s5  }
0x25: {  	s5 =	sshrl.u32 s10, $0x3;
	s10 =	simm.s32 $0x5000;
	[smem:$0x7FD] =	sst s26  }
0x26: {  	s1 =	sadd.s32 $0xFFFFFFFF, s1;
	s26 =	simm.s32 $0xF00;
	s0 =	rddreg [dreg:$0x3]  }
0x27: {  	[tilespmem:s30], [sflag:$0xD] =	stream.linear.gather [hbm4b:s0+s30], $0x800, $0x38;
	[tilespmem:$0x1D000] =	vst v63  }
0x28: {  	_ =	swait.ge [sflag:s3], $0x800  }
0x29: {  	[sflag:s3] =	ssyncset.done $0x0  }
0x2a: {  	s24 =	rddreg [dreg:$0x4];
	[sflag:s3] =	ssyncadd.s32 $0xFFFFF800  }
0x2b: {  	[tilespmem:s31], [sflag:$0xD] =	stream.linear.gather [hbm4b:s24+s30], $0x800, $0x38;
	[tilespmem:$0x1D000] =	vst v63  }
0x2c: {  	_ =	swait.ge [sflag:s3], $0x800  }
0x2d: {  	[sflag:s3] =	ssyncset.done $0x0  }
0x2e: {  	s24 =	rddreg [dreg:$0x5];
	[sflag:s3] =	ssyncadd.s32 $0xFFFFF800  }
0x2f: {  	[spmem:s5], [sflag:s4] =	dma.local [hbm:s24], $0x800  }
0x30: {  	_ =	swait.ge [sflag:s3], $0x800  }
0x31: {  	[sflag:s3] =	ssyncset.done $0x0  }
0x32: {  	[sflag:s3] =	ssyncadd.s32 $0xFFFFF800  }
0x33: {  	[tilespmem:s11], [sflag:$0x1] =	stream.indirect.gather [hbm4b:s6+s7], $0x80, s30, s7, $0xb8;
	[tilespmem:$0x1D000] =	vst v63  }
0x34: {  	_ = 	snop  }
0x35: {  	[tilespmem:s10], [sflag:$0x2] =	stream.indirect.gather [hbm4b:s6+s7], $0x80, s7, s7, $0xb8;
	[tilespmem:$0x1D000] =	vst v63  }
0x36: {  	s24 =	rddreg [dreg:$0x7]  }
0x37: {  	[tilespmem:s9], [sflag:$0x3] =	stream.indirect.gather [hbm4b:s6+s7], $0x80, s24, s7, $0xb8;
	[tilespmem:$0x1D000] =	vst v63  }
0x38: {  	[bflag:$0x0] =	sbarrier.arrive $0xFFFF  }
0x39: {  	s24 =	rddreg [dreg:$0x8]  }
0x3a: {  	[tilespmem:s8], [sflag:$0x4] =	stream.indirect.gather [hbm4b:s6+s7], $0x80, s24, s7, $0xb8;
	[tilespmem:$0x1D000] =	vst v63  }
0x3b: {  	_ =	swait.ge [sflag:s15], $0x4000  }
0x3c: {  	[sflag:s15] =	ssyncset.done $0x0  }
0x3d: {  	[sflag:s15] =	ssyncadd.s32 $0xFFFFC000  }
0x3e: {  	[spmem:s2] =	stream.indirect.scatter.add.f32 [tilespmem:s11], [sflag:$0x7], $0x80, s31, s7, $0xb8;
	[tilespmem:$0x1D000] =	vst v63  }
0x3f: {  	s24 =	rddreg [dreg:$0x9]  }
0x40: {  	[tilespmem:s23], [sflag:$0x5] =	stream.indirect.gather [hbm4b:s6+s7], $0x80, s24, s7, $0xb8;
	[tilespmem:$0x1D000] =	vst v63  }
0x41: {  	_ =	swait.ge [sflag:s16], $0x4000  }
0x42: {  	[sflag:s16] =	ssyncset.done $0x0  }
0x43: {  	s0 =	rddreg [dreg:$0xa];
	[sflag:s16] =	ssyncadd.s32 $0xFFFFC000  }
0x44: {  	[spmem:s2] =	stream.indirect.scatter.add.f32 [tilespmem:s10], [sflag:$0x8], $0x80, s0, s7, $0xb8;
	[tilespmem:$0x1D000] =	vst v63  }
0x45: {  	s24 =	smov.u32 s1;
	s1 =	rddreg [dreg:$0xb]  }
0x46: {  	[tilespmem:s20], [sflag:$0x6] =	stream.indirect.gather [hbm4b:s6+s7], $0x80, s1, s7, $0xb8;
	[tilespmem:$0x1D000] =	vst v63  }
0x47: {  	_ =	swait.ge [sflag:s17], $0x4000  }
0x48: {  	[sflag:s17] =	ssyncset.done $0x0  }
0x49: {  	s1 =	rddreg [dreg:$0xc];
	[sflag:s17] =	ssyncadd.s32 $0xFFFFC000  }
0x4a: {  	[spmem:s2] =	stream.indirect.scatter.add.f32 [tilespmem:s9], [sflag:$0x9], $0x80, s1, s7, $0xb8;
	[tilespmem:$0x1D000] =	vst v63  }
0x4b: {  	_ =	swait.ge [sflag:s12], $0x4000  }
0x4c: {  	[sflag:s12] =	ssyncset.done $0x0  }
0x4d: {  	s1 =	rddreg [dreg:$0xd];
	[sflag:s12] =	ssyncadd.s32 $0xFFFFC000  }
0x4e: {  	[tilespmem:s11], [sflag:$0x1] =	stream.indirect.gather [hbm4b:s6+s7], $0x80, s1, s7, $0xb8;
	[tilespmem:$0x1D000] =	vst v63  }
0x4f: {  	_ =	swait.ge [sflag:s19], $0x4000  }
0x50: {  	[sflag:s19] =	ssyncset.done $0x0  }
0x51: {  	s1 =	rddreg [dreg:$0xe];
	[sflag:s19] =	ssyncadd.s32 $0xFFFFC000  }
0x52: {  	[spmem:s2] =	stream.indirect.scatter.add.f32 [tilespmem:s8], [sflag:$0xA], $0x80, s1, s7, $0xb8;
	[tilespmem:$0x1D000] =	vst v63  }
0x53: {  	_ =	swait.ge [sflag:s13], $0x4000  }
0x54: {  	[sflag:s13] =	ssyncset.done $0x0  }
0x55: {  	s1 =	rddreg [dreg:$0xf];
	[sflag:s13] =	ssyncadd.s32 $0xFFFFC000  }
0x56: {  	[tilespmem:s10], [sflag:$0x2] =	stream.indirect.gather [hbm4b:s6+s7], $0x80, s1, s7, $0xb8;
	[tilespmem:$0x1D000] =	vst v63  }
0x57: {  	_ =	swait.ge [sflag:s29], $0x4000  }
0x58: {  	[sflag:s29] =	ssyncset.done $0x0  }
0x59: {  	s1 =	rddreg [dreg:$0x10];
	[sflag:s29] =	ssyncadd.s32 $0xFFFFC000  }
0x5a: {  	[spmem:s2] =	stream.indirect.scatter.add.f32 [tilespmem:s23], [sflag:$0xB], $0x80, s1, s7, $0xb8;
	[tilespmem:$0x1D000] =	vst v63  }
0x5b: {  	_ =	swait.ge [sflag:s14], $0x4000  }
0x5c: {  	[sflag:s14] =	ssyncset.done $0x0  }
0x5d: {  	s1 =	rddreg [dreg:$0x11];
	[sflag:s14] =	ssyncadd.s32 $0xFFFFC000  }
0x5e: {  	[tilespmem:s9], [sflag:$0x3] =	stream.indirect.gather [hbm4b:s6+s7], $0x80, s1, s7, $0xb8;
	[tilespmem:$0x1D000] =	vst v63  }
0x5f: {  	_ =	swait.ge [sflag:s28], $0x4000  }
0x60: {  	[sflag:s28] =	ssyncset.done $0x0  }
0x61: {  	s1 =	rddreg [dreg:$0x12];
	[sflag:s28] =	ssyncadd.s32 $0xFFFFC000  }
0x62: {  	[spmem:s2] =	stream.indirect.scatter.add.f32 [tilespmem:s20], [sflag:$0xC], $0x80, s1, s7, $0xb8;
	[tilespmem:$0x1D000] =	vst v63  }
0x63: {  	_ =	swait.ge [sflag:s18], $0x4000  }
0x64: {  	[sflag:s18] =	ssyncset.done $0x0  }
0x65: {  	s1 =	rddreg [dreg:$0x13];
	[sflag:s18] =	ssyncadd.s32 $0xFFFFC000  }
0x66: {  	[tilespmem:s8], [sflag:$0x4] =	stream.indirect.gather [hbm4b:s6+s7], $0x80, s1, s7, $0xb8;
	[tilespmem:$0x1D000] =	vst v63  }
0x67: {  	_ =	swait.ge [sflag:s15], $0x4000  }
0x68: {  	[sflag:s15] =	ssyncset.done $0x0  }
0x69: {  	s1 =	rddreg [dreg:$0x14];
	[sflag:s15] =	ssyncadd.s32 $0xFFFFC000  }
0x6a: {  	[spmem:s2] =	stream.indirect.scatter.add.f32 [tilespmem:s11], [sflag:$0x7], $0x80, s1, s7, $0xb8;
	[tilespmem:$0x1D000] =	vst v63  }
0x6b: {  	_ =	swait.ge [sflag:s22], $0x4000  }
0x6c: {  	[sflag:s22] =	ssyncset.done $0x0  }
0x6d: {  	s1 =	rddreg [dreg:$0x15];
	[sflag:s22] =	ssyncadd.s32 $0xFFFFC000  }
0x6e: {  	[tilespmem:s23], [sflag:$0x5] =	stream.indirect.gather [hbm4b:s6+s7], $0x80, s1, s7, $0xb8;
	[tilespmem:$0x1D000] =	vst v63  }
0x6f: {  	_ =	swait.ge [sflag:s16], $0x4000  }
0x70: {  	[sflag:s16] =	ssyncset.done $0x0  }
0x71: {  	s1 =	rddreg [dreg:$0x16];
	[sflag:s16] =	ssyncadd.s32 $0xFFFFC000  }
0x72: {  	[spmem:s2] =	stream.indirect.scatter.add.f32 [tilespmem:s10], [sflag:$0x8], $0x80, s1, s7, $0xb8;
	[tilespmem:$0x1D000] =	vst v63  }
0x73: {  	_ =	swait.ge [sflag:s21], $0x4000  }
0x74: {  	[sflag:s21] =	ssyncset.done $0x0  }
0x75: {  	s1 =	rddreg [dreg:$0x17];
	[sflag:s21] =	ssyncadd.s32 $0xFFFFC000  }
0x76: {  	[tilespmem:s20], [sflag:$0x6] =	stream.indirect.gather [hbm4b:s6+s7], $0x80, s1, s7, $0xb8;
	[tilespmem:$0x1D000] =	vst v63  }
0x77: {  	_ =	swait.ge [sflag:s17], $0x4000  }
0x78: {  	[sflag:s17] =	ssyncset.done $0x0  }
0x79: {  	s1 =	rddreg [dreg:$0x18];
	[sflag:s17] =	ssyncadd.s32 $0xFFFFC000  }
0x7a: {  	[spmem:s2] =	stream.indirect.scatter.add.f32 [tilespmem:s9], [sflag:$0x9], $0x80, s1, s7, $0xb8;
	[tilespmem:$0x1D000] =	vst v63  }
0x7b: {  	_ =	swait.ge [sflag:s12], $0x4000  }
0x7c: {  	[sflag:s12] =	ssyncset.done $0x0  }
0x7d: {  	s1 =	rddreg [dreg:$0x19];
	[sflag:s12] =	ssyncadd.s32 $0xFFFFC000  }
0x7e: {  	[tilespmem:s11], [sflag:$0x1] =	stream.indirect.gather [hbm4b:s6+s7], $0x80, s1, s7, $0xb8;
	[tilespmem:$0x1D000] =	vst v63  }
0x7f: {  	_ =	swait.ge [sflag:s19], $0x4000  }
0x80: {  	[sflag:s19] =	ssyncset.done $0x0  }
0x81: {  	s1 =	rddreg [dreg:$0x1a];
	[sflag:s19] =	ssyncadd.s32 $0xFFFFC000  }
0x82: {  	[spmem:s2] =	stream.indirect.scatter.add.f32 [tilespmem:s8], [sflag:$0xA], $0x80, s1, s7, $0xb8;
	[tilespmem:$0x1D000] =	vst v63  }
0x83: {  	_ =	swait.ge [sflag:s13], $0x4000  }
0x84: {  	[sflag:s13] =	ssyncset.done $0x0  }
0x85: {  	s1 =	rddreg [dreg:$0x1b];
	[sflag:s13] =	ssyncadd.s32 $0xFFFFC000  }
0x86: {  	[tilespmem:s10], [sflag:$0x2] =	stream.indirect.gather [hbm4b:s6+s7], $0x80, s1, s7, $0xb8;
	[tilespmem:$0x1D000] =	vst v63  }
0x87: {  	_ =	swait.ge [sflag:s29], $0x4000  }
0x88: {  	[sflag:s29] =	ssyncset.done $0x0  }
0x89: {  	s1 =	rddreg [dreg:$0x1c];
	[sflag:s29] =	ssyncadd.s32 $0xFFFFC000  }
0x8a: {  	[spmem:s2] =	stream.indirect.scatter.add.f32 [tilespmem:s23], [sflag:$0xB], $0x80, s1, s7, $0xb8;
	[tilespmem:$0x1D000] =	vst v63  }
0x8b: {  	_ =	swait.ge [sflag:s14], $0x4000  }
0x8c: {  	[sflag:s14] =	ssyncset.done $0x0  }
0x8d: {  	s1 =	rddreg [dreg:$0x1d];
	[sflag:s14] =	ssyncadd.s32 $0xFFFFC000  }
0x8e: {  	[tilespmem:s9], [sflag:$0x3] =	stream.indirect.gather [hbm4b:s6+s7], $0x80, s1, s7, $0xb8;
	[tilespmem:$0x1D000] =	vst v63  }
0x8f: {  	_ =	swait.ge [sflag:s28], $0x4000  }
0x90: {  	[sflag:s28] =	ssyncset.done $0x0  }
0x91: {  	s1 =	rddreg [dreg:$0x1e];
	[sflag:s28] =	ssyncadd.s32 $0xFFFFC000  }
0x92: {  	[spmem:s2] =	stream.indirect.scatter.add.f32 [tilespmem:s20], [sflag:$0xC], $0x80, s1, s7, $0xb8;
	[tilespmem:$0x1D000] =	vst v63  }
0x93: {  	_ =	swait.ge [sflag:s18], $0x4000  }
0x94: {  	[sflag:s18] =	ssyncset.done $0x0  }
0x95: {  	s1 =	rddreg [dreg:$0x1f];
	[sflag:s18] =	ssyncadd.s32 $0xFFFFC000  }
0x96: {  	[tilespmem:s8], [sflag:$0x4] =	stream.indirect.gather [hbm4b:s6+s7], $0x80, s1, s7, $0xb8;
	[tilespmem:$0x1D000] =	vst v63  }
0x97: {  	_ =	swait.ge [sflag:s15], $0x4000  }
0x98: {  	s1 =	sld [smem:$0x7FD]  }
0x99: {  	[sflag:s15] =	ssyncset.done $0x0  }
0x9a: {  	[sflag:s15] =	ssyncadd.s32 $0xFFFFC000  }
0x9b: {  	[spmem:s2] =	stream.indirect.scatter.add.f32 [tilespmem:s11], [sflag:$0x7], $0x80, s1, s7, $0xb8;
	[tilespmem:$0x1D000] =	vst v63  }
0x9c: {  	_ =	swait.ge [sflag:s16], $0x4000  }
0x9d: {  	[sflag:s16] =	ssyncset.done $0x0  }
0x9e: {  	s1 =	simm.s32 $0xE80;
	[sflag:s16] =	ssyncadd.s32 $0xFFFFC000  }
0x9f: {  	[spmem:s2] =	stream.indirect.scatter.add.f32 [tilespmem:s10], [sflag:$0x8], $0x80, s1, s7, $0xb8;
	[tilespmem:$0x1D000] =	vst v63  }
0xa0: {  	_ =	swait.ge [sflag:s17], $0x4000  }
0xa1: {  	[sflag:s17] =	ssyncset.done $0x0  }
0xa2: {  	[sflag:s17] =	ssyncadd.s32 $0xFFFFC000  }
0xa3: {  	[spmem:s2] =	stream.indirect.scatter.add.f32 [tilespmem:s9], [sflag:$0x9], $0x80, s26, s7, $0xb8;
	[tilespmem:$0x1D000] =	vst v63  }
0xa4: {  	_ =	swait.ge [sflag:s19], $0x4000  }
0xa5: {  	[sflag:s19] =	ssyncset.done $0x0  }
0xa6: {  	[sflag:s19] =	ssyncadd.s32 $0xFFFFC000  }
0xa7: {  	[spmem:s2] =	stream.indirect.scatter.add.f32 [tilespmem:s8], [sflag:$0xA], $0x80, s25, s7, $0xb8;
	[tilespmem:$0x1D000] =	vst v63  }
0xa8: {  	_ =	swait.ge [sflag:s22], $0x4000  }
0xa9: {  	[sflag:s22] =	ssyncset.done $0x0  }
0xaa: {  	[sflag:s22] =	ssyncadd.s32 $0xFFFFC000  }
0xab: {  	_ =	swait.ge [sflag:s21], $0x4000  }
0xac: {  	[sflag:s21] =	ssyncset.done $0x0  }
0xad: {  	[sflag:s21] =	ssyncadd.s32 $0xFFFFC000  }
0xae: {  	_ =	swait.ge [sflag:s12], $0x4000  }
0xaf: {  	[sflag:s12] =	ssyncset.done $0x0  }
0xb0: {  	[sflag:s12] =	ssyncadd.s32 $0xFFFFC000  }
0xb1: {  	_ =	swait.ge [sflag:s13], $0x4000  }
0xb2: {  	[sflag:s13] =	ssyncset.done $0x0  }
0xb3: {  	[sflag:s13] =	ssyncadd.s32 $0xFFFFC000  }
0xb4: {  	_ =	swait.ge [sflag:s14], $0x4000  }
0xb5: {  	[sflag:s14] =	ssyncset.done $0x0  }
0xb6: {  	[sflag:s14] =	ssyncadd.s32 $0xFFFFC000  }
0xb7: {  	_ =	swait.ge [sflag:s18], $0x4000  }
0xb8: {  	[sflag:s18] =	ssyncset.done $0x0  }
0xb9: {  	p1 =	sne.s32 s24, $0x1;
	[sflag:s18] =	ssyncadd.s32 $0xFFFFC000  }
.Ltmp1:
0xba: {  	[bflag:$0x0] =	sbarrier.arrive $0xFFFF;
	(pc) =	sbr.rel @!p1 .LBB2_3-.Ltmp1, $4  }
0xbb: {  	s1 =	rddreg [dreg:$0x6]  }
0xbc: {  	[hbm:s1], [sflag:s4] =	dma.local [spmem:s5], $0x800  }
0xbd: {  	p0 =	por $0x1, $0x1;
	_ =	swait.ge [sflag:s3], $0x800  }
0xbe: {  	s1 =	sadd.s32 $0xFFFFFFFF, s24;
	s0 =	rddreg [dreg:$0x3];
	[sflag:s3] =	ssyncset.done $0x0  }
.LBB2_4:
0xbf: {  	[sflag:s3] =	ssyncadd.s32 $0xFFFFF800  }
0xc0: {  	[tilespmem:s30], [sflag:$0xD] =	stream.linear.gather [hbm4b:s0+s30], $0x800, $0x38;
	[tilespmem:$0x1D000] =	vst v63  }
0xc1: {  	_ =	swait.ge [sflag:s3], $0x800  }
0xc2: {  	[sflag:s3] =	ssyncset.done $0x0  }
0xc3: {  	s24 =	rddreg [dreg:$0x4];
	[sflag:s3] =	ssyncadd.s32 $0xFFFFF800  }
0xc4: {  	[tilespmem:s31], [sflag:$0xD] =	stream.linear.gather [hbm4b:s24+s30], $0x800, $0x38;
	[tilespmem:$0x1D000] =	vst v63  }
0xc5: {  	_ =	swait.ge [sflag:s3], $0x800  }
0xc6: {  	[sflag:s3] =	ssyncset.done $0x0  }
0xc7: {  	s24 =	rddreg [dreg:$0x5];
	[sflag:s3] =	ssyncadd.s32 $0xFFFFF800  }
0xc8: {  	[spmem:s5], [sflag:s4] =	dma.local [hbm:s24], $0x800  }
0xc9: {  	_ =	swait.ge [sflag:s3], $0x800  }
0xca: {  	[sflag:s3] =	ssyncset.done $0x0  }
0xcb: {  	[sflag:s3] =	ssyncadd.s32 $0xFFFFF800  }
0xcc: {  	[tilespmem:s11], [sflag:$0x1] =	stream.indirect.gather [hbm4b:s6+s7], $0x80, s30, s7, $0xb8;
	[tilespmem:$0x1D000] =	vst v63  }
0xcd: {  	_ = 	snop  }
0xce: {  	[tilespmem:s10], [sflag:$0x2] =	stream.indirect.gather [hbm4b:s6+s7], $0x80, s7, s7, $0xb8;
	[tilespmem:$0x1D000] =	vst v63  }
0xcf: {  	s24 =	rddreg [dreg:$0x7]  }
0xd0: {  	[tilespmem:s9], [sflag:$0x3] =	stream.indirect.gather [hbm4b:s6+s7], $0x80, s24, s7, $0xb8;
	[tilespmem:$0x1D000] =	vst v63  }
0xd1: {  	[bflag:$0x0] =	sbarrier.arrive $0xFFFF  }
0xd2: {  	s24 =	rddreg [dreg:$0x8]  }
0xd3: {  	[tilespmem:s8], [sflag:$0x4] =	stream.indirect.gather [hbm4b:s6+s7], $0x80, s24, s7, $0xb8;
	[tilespmem:$0x1D000] =	vst v63  }
0xd4: {  	_ =	swait.ge [sflag:s15], $0x4000  }
0xd5: {  	[sflag:s15] =	ssyncset.done $0x0  }
0xd6: {  	[sflag:s15] =	ssyncadd.s32 $0xFFFFC000  }
0xd7: {  	[spmem:s2] =	stream.indirect.scatter.add.f32 [tilespmem:s11], [sflag:$0x7], $0x80, s31, s7, $0xb8;
	[tilespmem:$0x1D000] =	vst v63  }
0xd8: {  	s24 =	rddreg [dreg:$0x9]  }
0xd9: {  	[tilespmem:s23], [sflag:$0x5] =	stream.indirect.gather [hbm4b:s6+s7], $0x80, s24, s7, $0xb8;
	[tilespmem:$0x1D000] =	vst v63  }
0xda: {  	_ =	swait.ge [sflag:s16], $0x4000  }
0xdb: {  	[sflag:s16] =	ssyncset.done $0x0  }
0xdc: {  	s0 =	rddreg [dreg:$0xa];
	[sflag:s16] =	ssyncadd.s32 $0xFFFFC000  }
0xdd: {  	[spmem:s2] =	stream.indirect.scatter.add.f32 [tilespmem:s10], [sflag:$0x8], $0x80, s0, s7, $0xb8;
	[tilespmem:$0x1D000] =	vst v63  }
0xde: {  	s24 =	rddreg [dreg:$0xb]  }
0xdf: {  	[tilespmem:s20], [sflag:$0x6] =	stream.indirect.gather [hbm4b:s6+s7], $0x80, s24, s7, $0xb8;
	[tilespmem:$0x1D000] =	vst v63  }
0xe0: {  	_ =	swait.ge [sflag:s17], $0x4000  }
0xe1: {  	[sflag:s17] =	ssyncset.done $0x0  }
0xe2: {  	s24 =	rddreg [dreg:$0xc];
	[sflag:s17] =	ssyncadd.s32 $0xFFFFC000  }
0xe3: {  	[spmem:s2] =	stream.indirect.scatter.add.f32 [tilespmem:s9], [sflag:$0x9], $0x80, s24, s7, $0xb8;
	[tilespmem:$0x1D000] =	vst v63  }
0xe4: {  	_ =	swait.ge [sflag:s12], $0x4000  }
0xe5: {  	[sflag:s12] =	ssyncset.done $0x0  }
0xe6: {  	s24 =	rddreg [dreg:$0xd];
	[sflag:s12] =	ssyncadd.s32 $0xFFFFC000  }
0xe7: {  	[tilespmem:s11], [sflag:$0x1] =	stream.indirect.gather [hbm4b:s6+s7], $0x80, s24, s7, $0xb8;
	[tilespmem:$0x1D000] =	vst v63  }
0xe8: {  	_ =	swait.ge [sflag:s19], $0x4000  }
0xe9: {  	[sflag:s19] =	ssyncset.done $0x0  }
0xea: {  	s24 =	rddreg [dreg:$0xe];
	[sflag:s19] =	ssyncadd.s32 $0xFFFFC000  }
0xeb: {  	[spmem:s2] =	stream.indirect.scatter.add.f32 [tilespmem:s8], [sflag:$0xA], $0x80, s24, s7, $0xb8;
	[tilespmem:$0x1D000] =	vst v63  }
0xec: {  	_ =	swait.ge [sflag:s13], $0x4000  }
0xed: {  	[sflag:s13] =	ssyncset.done $0x0  }
0xee: {  	s24 =	rddreg [dreg:$0xf];
	[sflag:s13] =	ssyncadd.s32 $0xFFFFC000  }
0xef: {  	[tilespmem:s10], [sflag:$0x2] =	stream.indirect.gather [hbm4b:s6+s7], $0x80, s24, s7, $0xb8;
	[tilespmem:$0x1D000] =	vst v63  }
0xf0: {  	_ =	swait.ge [sflag:s29], $0x4000  }
0xf1: {  	[sflag:s29] =	ssyncset.done $0x0  }
0xf2: {  	s24 =	rddreg [dreg:$0x10];
	[sflag:s29] =	ssyncadd.s32 $0xFFFFC000  }
0xf3: {  	[spmem:s2] =	stream.indirect.scatter.add.f32 [tilespmem:s23], [sflag:$0xB], $0x80, s24, s7, $0xb8;
	[tilespmem:$0x1D000] =	vst v63  }
0xf4: {  	_ =	swait.ge [sflag:s14], $0x4000  }
0xf5: {  	[sflag:s14] =	ssyncset.done $0x0  }
0xf6: {  	s24 =	rddreg [dreg:$0x11];
	[sflag:s14] =	ssyncadd.s32 $0xFFFFC000  }
0xf7: {  	[tilespmem:s9], [sflag:$0x3] =	stream.indirect.gather [hbm4b:s6+s7], $0x80, s24, s7, $0xb8;
	[tilespmem:$0x1D000] =	vst v63  }
0xf8: {  	_ =	swait.ge [sflag:s28], $0x4000  }
0xf9: {  	[sflag:s28] =	ssyncset.done $0x0  }
0xfa: {  	s24 =	rddreg [dreg:$0x12];
	[sflag:s28] =	ssyncadd.s32 $0xFFFFC000  }
0xfb: {  	[spmem:s2] =	stream.indirect.scatter.add.f32 [tilespmem:s20], [sflag:$0xC], $0x80, s24, s7, $0xb8;
	[tilespmem:$0x1D000] =	vst v63  }
0xfc: {  	_ =	swait.ge [sflag:s18], $0x4000  }
0xfd: {  	[sflag:s18] =	ssyncset.done $0x0  }
0xfe: {  	s24 =	rddreg [dreg:$0x13];
	[sflag:s18] =	ssyncadd.s32 $0xFFFFC000  }
0xff: {  	[tilespmem:s8], [sflag:$0x4] =	stream.indirect.gather [hbm4b:s6+s7], $0x80, s24, s7, $0xb8;
	[tilespmem:$0x1D000] =	vst v63  }
0x100: {  	_ =	swait.ge [sflag:s15], $0x4000  }
0x101: {  	[sflag:s15] =	ssyncset.done $0x0  }
0x102: {  	s24 =	rddreg [dreg:$0x14];
	[sflag:s15] =	ssyncadd.s32 $0xFFFFC000  }
0x103: {  	[spmem:s2] =	stream.indirect.scatter.add.f32 [tilespmem:s11], [sflag:$0x7], $0x80, s24, s7, $0xb8;
	[tilespmem:$0x1D000] =	vst v63  }
0x104: {  	_ =	swait.ge [sflag:s22], $0x4000  }
0x105: {  	[sflag:s22] =	ssyncset.done $0x0  }
0x106: {  	s24 =	rddreg [dreg:$0x15];
	[sflag:s22] =	ssyncadd.s32 $0xFFFFC000  }
0x107: {  	[tilespmem:s23], [sflag:$0x5] =	stream.indirect.gather [hbm4b:s6+s7], $0x80, s24, s7, $0xb8;
	[tilespmem:$0x1D000] =	vst v63  }
0x108: {  	_ =	swait.ge [sflag:s16], $0x4000  }
0x109: {  	[sflag:s16] =	ssyncset.done $0x0  }
0x10a: {  	s24 =	rddreg [dreg:$0x16];
	[sflag:s16] =	ssyncadd.s32 $0xFFFFC000  }
0x10b: {  	[spmem:s2] =	stream.indirect.scatter.add.f32 [tilespmem:s10], [sflag:$0x8], $0x80, s24, s7, $0xb8;
	[tilespmem:$0x1D000] =	vst v63  }
0x10c: {  	_ =	swait.ge [sflag:s21], $0x4000  }
0x10d: {  	[sflag:s21] =	ssyncset.done $0x0  }
0x10e: {  	s24 =	rddreg [dreg:$0x17];
	[sflag:s21] =	ssyncadd.s32 $0xFFFFC000  }
0x10f: {  	[tilespmem:s20], [sflag:$0x6] =	stream.indirect.gather [hbm4b:s6+s7], $0x80, s24, s7, $0xb8;
	[tilespmem:$0x1D000] =	vst v63  }
0x110: {  	_ =	swait.ge [sflag:s17], $0x4000  }
0x111: {  	[sflag:s17] =	ssyncset.done $0x0  }
0x112: {  	s24 =	rddreg [dreg:$0x18];
	[sflag:s17] =	ssyncadd.s32 $0xFFFFC000  }
0x113: {  	[spmem:s2] =	stream.indirect.scatter.add.f32 [tilespmem:s9], [sflag:$0x9], $0x80, s24, s7, $0xb8;
	[tilespmem:$0x1D000] =	vst v63  }
0x114: {  	_ =	swait.ge [sflag:s12], $0x4000  }
0x115: {  	[sflag:s12] =	ssyncset.done $0x0  }
0x116: {  	s24 =	rddreg [dreg:$0x19];
	[sflag:s12] =	ssyncadd.s32 $0xFFFFC000  }
0x117: {  	[tilespmem:s11], [sflag:$0x1] =	stream.indirect.gather [hbm4b:s6+s7], $0x80, s24, s7, $0xb8;
	[tilespmem:$0x1D000] =	vst v63  }
0x118: {  	_ =	swait.ge [sflag:s19], $0x4000  }
0x119: {  	[sflag:s19] =	ssyncset.done $0x0  }
0x11a: {  	s24 =	rddreg [dreg:$0x1a];
	[sflag:s19] =	ssyncadd.s32 $0xFFFFC000  }
0x11b: {  	[spmem:s2] =	stream.indirect.scatter.add.f32 [tilespmem:s8], [sflag:$0xA], $0x80, s24, s7, $0xb8;
	[tilespmem:$0x1D000] =	vst v63  }
0x11c: {  	_ =	swait.ge [sflag:s13], $0x4000  }
0x11d: {  	[sflag:s13] =	ssyncset.done $0x0  }
0x11e: {  	s24 =	rddreg [dreg:$0x1b];
	[sflag:s13] =	ssyncadd.s32 $0xFFFFC000  }
0x11f: {  	[tilespmem:s10], [sflag:$0x2] =	stream.indirect.gather [hbm4b:s6+s7], $0x80, s24, s7, $0xb8;
	[tilespmem:$0x1D000] =	vst v63  }
0x120: {  	_ =	swait.ge [sflag:s29], $0x4000  }
0x121: {  	[sflag:s29] =	ssyncset.done $0x0  }
0x122: {  	s24 =	rddreg [dreg:$0x1c];
	[sflag:s29] =	ssyncadd.s32 $0xFFFFC000  }
0x123: {  	[spmem:s2] =	stream.indirect.scatter.add.f32 [tilespmem:s23], [sflag:$0xB], $0x80, s24, s7, $0xb8;
	[tilespmem:$0x1D000] =	vst v63  }
0x124: {  	_ =	swait.ge [sflag:s14], $0x4000  }
0x125: {  	[sflag:s14] =	ssyncset.done $0x0  }
0x126: {  	s24 =	rddreg [dreg:$0x1d];
	[sflag:s14] =	ssyncadd.s32 $0xFFFFC000  }
0x127: {  	[tilespmem:s9], [sflag:$0x3] =	stream.indirect.gather [hbm4b:s6+s7], $0x80, s24, s7, $0xb8;
	[tilespmem:$0x1D000] =	vst v63  }
0x128: {  	_ =	swait.ge [sflag:s28], $0x4000  }
0x129: {  	[sflag:s28] =	ssyncset.done $0x0  }
0x12a: {  	s24 =	rddreg [dreg:$0x1e];
	[sflag:s28] =	ssyncadd.s32 $0xFFFFC000  }
0x12b: {  	[spmem:s2] =	stream.indirect.scatter.add.f32 [tilespmem:s20], [sflag:$0xC], $0x80, s24, s7, $0xb8;
	[tilespmem:$0x1D000] =	vst v63  }
0x12c: {  	_ =	swait.ge [sflag:s18], $0x4000  }
0x12d: {  	[sflag:s18] =	ssyncset.done $0x0  }
0x12e: {  	s24 =	rddreg [dreg:$0x1f];
	[sflag:s18] =	ssyncadd.s32 $0xFFFFC000  }
0x12f: {  	[tilespmem:s8], [sflag:$0x4] =	stream.indirect.gather [hbm4b:s6+s7], $0x80, s24, s7, $0xb8;
	[tilespmem:$0x1D000] =	vst v63  }
0x130: {  	_ =	swait.ge [sflag:s15], $0x4000  }
0x131: {  	s24 =	sld [smem:$0x7FD]  }
0x132: {  	[sflag:s15] =	ssyncset.done $0x0  }
0x133: {  	[sflag:s15] =	ssyncadd.s32 $0xFFFFC000  }
0x134: {  	[spmem:s2] =	stream.indirect.scatter.add.f32 [tilespmem:s11], [sflag:$0x7], $0x80, s24, s7, $0xb8;
	[tilespmem:$0x1D000] =	vst v63  }
0x135: {  	_ =	swait.ge [sflag:s16], $0x4000  }
0x136: {  	[sflag:s16] =	ssyncset.done $0x0  }
0x137: {  	s24 =	simm.s32 $0xE80;
	[sflag:s16] =	ssyncadd.s32 $0xFFFFC000  }
0x138: {  	[spmem:s2] =	stream.indirect.scatter.add.f32 [tilespmem:s10], [sflag:$0x8], $0x80, s24, s7, $0xb8;
	[tilespmem:$0x1D000] =	vst v63  }
0x139: {  	_ =	swait.ge [sflag:s17], $0x4000  }
0x13a: {  	[sflag:s17] =	ssyncset.done $0x0  }
0x13b: {  	[sflag:s17] =	ssyncadd.s32 $0xFFFFC000  }
0x13c: {  	[spmem:s2] =	stream.indirect.scatter.add.f32 [tilespmem:s9], [sflag:$0x9], $0x80, s26, s7, $0xb8;
	[tilespmem:$0x1D000] =	vst v63  }
0x13d: {  	_ =	swait.ge [sflag:s19], $0x4000  }
0x13e: {  	[sflag:s19] =	ssyncset.done $0x0  }
0x13f: {  	[sflag:s19] =	ssyncadd.s32 $0xFFFFC000  }
0x140: {  	[spmem:s2] =	stream.indirect.scatter.add.f32 [tilespmem:s8], [sflag:$0xA], $0x80, s25, s7, $0xb8;
	[tilespmem:$0x1D000] =	vst v63  }
0x141: {  	_ =	swait.ge [sflag:s22], $0x4000  }
0x142: {  	[sflag:s22] =	ssyncset.done $0x0  }
0x143: {  	[sflag:s22] =	ssyncadd.s32 $0xFFFFC000  }
0x144: {  	_ =	swait.ge [sflag:s21], $0x4000  }
0x145: {  	[sflag:s21] =	ssyncset.done $0x0  }
0x146: {  	[sflag:s21] =	ssyncadd.s32 $0xFFFFC000  }
0x147: {  	_ =	swait.ge [sflag:s12], $0x4000  }
0x148: {  	[sflag:s12] =	ssyncset.done $0x0  }
0x149: {  	[sflag:s12] =	ssyncadd.s32 $0xFFFFC000  }
0x14a: {  	_ =	swait.ge [sflag:s13], $0x4000  }
0x14b: {  	[sflag:s13] =	ssyncset.done $0x0  }
0x14c: {  	[sflag:s13] =	ssyncadd.s32 $0xFFFFC000  }
0x14d: {  	_ =	swait.ge [sflag:s14], $0x4000  }
0x14e: {  	[sflag:s14] =	ssyncset.done $0x0  }
0x14f: {  	[sflag:s14] =	ssyncadd.s32 $0xFFFFC000  }
0x150: {  	_ =	swait.ge [sflag:s18], $0x4000  }
0x151: {  	[sflag:s18] =	ssyncset.done $0x0  }
0x152: {  	p1 =	sne.s32 s1, $0x1;
	[sflag:s18] =	ssyncadd.s32 $0xFFFFC000  }
.Ltmp2:
0x153: {  	[bflag:$0x0] =	sbarrier.arrive $0xFFFF;
	(pc) =	sbr.rel @p1 .LBB2_4-.Ltmp2, $4  }
0x154: {  	s24 =	rddreg [dreg:$0x6]  }
0x155: {  	[hbm:s24], [sflag:s4] =	dma.local [spmem:s5], $0x800  }
0x156: {  	_ =	swait.ge [sflag:s3], $0x800  }
0x157: {  	s1 =	sadd.s32 $0xFFFFFFFF, s1;
	s0 =	rddreg [dreg:$0x3];
	[sflag:s3] =	ssyncset.done $0x0  }
0x158: {  	s25 =	simm.s32 $0xE80;
	s26 =	simm.s32 $0xF00;
	s24 =	stileid.u32  }
.LBB2_6:
0x159: {  	[sflag:s3] =	ssyncadd.s32 @p0 $0xFFFFF800  }
0x15a: {  	[tilespmem:s30], [sflag:$0xD] =	stream.linear.gather [hbm4b:s0+s30], $0x800, $0x38;
	[tilespmem:$0x1D000] =	vst v63  }
0x15b: {  	_ =	swait.ge [sflag:s3], $0x800  }
0x15c: {  	[sflag:s3] =	ssyncset.done $0x0  }
0x15d: {  	s1 =	rddreg [dreg:$0x4];
	[sflag:s3] =	ssyncadd.s32 $0xFFFFF800  }
0x15e: {  	[tilespmem:s31], [sflag:$0xD] =	stream.linear.gather [hbm4b:s1+s30], $0x800, $0x38;
	[tilespmem:$0x1D000] =	vst v63  }
0x15f: {  	_ =	swait.ge [sflag:s3], $0x800  }
0x160: {  	[sflag:s3] =	ssyncset.done $0x0  }
0x161: {  	s1 =	rddreg [dreg:$0x5];
	[sflag:s3] =	ssyncadd.s32 $0xFFFFF800  }
0x162: {  	[spmem:s5], [sflag:s4] =	dma.local [hbm:s1], $0x800  }
0x163: {  	_ =	swait.ge [sflag:s3], $0x800  }
0x164: {  	[sflag:s3] =	ssyncset.done $0x0  }
0x165: {  	[sflag:s3] =	ssyncadd.s32 $0xFFFFF800  }
0x166: {  	[tilespmem:s11], [sflag:$0x1] =	stream.indirect.gather [hbm4b:s6+s7], $0x80, s30, s7, $0xb8;
	[tilespmem:$0x1D000] =	vst v63  }
0x167: {  	_ = 	snop  }
0x168: {  	[tilespmem:s10], [sflag:$0x2] =	stream.indirect.gather [hbm4b:s6+s7], $0x80, s7, s7, $0xb8;
	[tilespmem:$0x1D000] =	vst v63  }
0x169: {  	s30 =	rddreg [dreg:$0x7]  }
0x16a: {  	[tilespmem:s9], [sflag:$0x3] =	stream.indirect.gather [hbm4b:s6+s7], $0x80, s30, s7, $0xb8;
	[tilespmem:$0x1D000] =	vst v63  }
0x16b: {  	[bflag:$0x0] =	sbarrier.arrive $0xFFFF  }
0x16c: {  	s1 =	rddreg [dreg:$0x8]  }
0x16d: {  	[tilespmem:s8], [sflag:$0x4] =	stream.indirect.gather [hbm4b:s6+s7], $0x80, s1, s7, $0xb8;
	[tilespmem:$0x1D000] =	vst v63  }
0x16e: {  	_ =	swait.ge [sflag:s15], $0x4000  }
0x16f: {  	[sflag:s15] =	ssyncset.done $0x0  }
0x170: {  	[sflag:s15] =	ssyncadd.s32 $0xFFFFC000  }
0x171: {  	[spmem:s2] =	stream.indirect.scatter.add.f32 [tilespmem:s11], [sflag:$0x7], $0x80, s31, s7, $0xb8;
	[tilespmem:$0x1D000] =	vst v63  }
0x172: {  	s30 =	rddreg [dreg:$0x9]  }
0x173: {  	[tilespmem:s23], [sflag:$0x5] =	stream.indirect.gather [hbm4b:s6+s7], $0x80, s30, s7, $0xb8;
	[tilespmem:$0x1D000] =	vst v63  }
0x174: {  	_ =	swait.ge [sflag:s16], $0x4000  }
0x175: {  	[sflag:s16] =	ssyncset.done $0x0  }
0x176: {  	s31 =	rddreg [dreg:$0xa];
	[sflag:s16] =	ssyncadd.s32 $0xFFFFC000  }
0x177: {  	[spmem:s2] =	stream.indirect.scatter.add.f32 [tilespmem:s10], [sflag:$0x8], $0x80, s31, s7, $0xb8;
	[tilespmem:$0x1D000] =	vst v63  }
0x178: {  	s1 =	rddreg [dreg:$0xb]  }
0x179: {  	[tilespmem:s20], [sflag:$0x6] =	stream.indirect.gather [hbm4b:s6+s7], $0x80, s1, s7, $0xb8;
	[tilespmem:$0x1D000] =	vst v63  }
0x17a: {  	_ =	swait.ge [sflag:s17], $0x4000  }
0x17b: {  	[sflag:s17] =	ssyncset.done $0x0  }
0x17c: {  	s30 =	rddreg [dreg:$0xc];
	[sflag:s17] =	ssyncadd.s32 $0xFFFFC000  }
0x17d: {  	[spmem:s2] =	stream.indirect.scatter.add.f32 [tilespmem:s9], [sflag:$0x9], $0x80, s30, s7, $0xb8;
	[tilespmem:$0x1D000] =	vst v63  }
0x17e: {  	_ =	swait.ge [sflag:s12], $0x4000  }
0x17f: {  	[sflag:s12] =	ssyncset.done $0x0  }
0x180: {  	s31 =	rddreg [dreg:$0xd];
	[sflag:s12] =	ssyncadd.s32 $0xFFFFC000  }
0x181: {  	[tilespmem:s11], [sflag:$0x1] =	stream.indirect.gather [hbm4b:s6+s7], $0x80, s31, s7, $0xb8;
	[tilespmem:$0x1D000] =	vst v63  }
0x182: {  	_ =	swait.ge [sflag:s19], $0x4000  }
0x183: {  	[sflag:s19] =	ssyncset.done $0x0  }
0x184: {  	s1 =	rddreg [dreg:$0xe];
	[sflag:s19] =	ssyncadd.s32 $0xFFFFC000  }
0x185: {  	[spmem:s2] =	stream.indirect.scatter.add.f32 [tilespmem:s8], [sflag:$0xA], $0x80, s1, s7, $0xb8;
	[tilespmem:$0x1D000] =	vst v63  }
0x186: {  	_ =	swait.ge [sflag:s13], $0x4000  }
0x187: {  	[sflag:s13] =	ssyncset.done $0x0  }
0x188: {  	s30 =	rddreg [dreg:$0xf];
	[sflag:s13] =	ssyncadd.s32 $0xFFFFC000  }
0x189: {  	[tilespmem:s10], [sflag:$0x2] =	stream.indirect.gather [hbm4b:s6+s7], $0x80, s30, s7, $0xb8;
	[tilespmem:$0x1D000] =	vst v63  }
0x18a: {  	_ =	swait.ge [sflag:s29], $0x4000  }
0x18b: {  	[sflag:s29] =	ssyncset.done $0x0  }
0x18c: {  	s31 =	rddreg [dreg:$0x10];
	[sflag:s29] =	ssyncadd.s32 $0xFFFFC000  }
0x18d: {  	[spmem:s2] =	stream.indirect.scatter.add.f32 [tilespmem:s23], [sflag:$0xB], $0x80, s31, s7, $0xb8;
	[tilespmem:$0x1D000] =	vst v63  }
0x18e: {  	_ =	swait.ge [sflag:s14], $0x4000  }
0x18f: {  	[sflag:s14] =	ssyncset.done $0x0  }
0x190: {  	s1 =	rddreg [dreg:$0x11];
	[sflag:s14] =	ssyncadd.s32 $0xFFFFC000  }
0x191: {  	[tilespmem:s9], [sflag:$0x3] =	stream.indirect.gather [hbm4b:s6+s7], $0x80, s1, s7, $0xb8;
	[tilespmem:$0x1D000] =	vst v63  }
0x192: {  	_ =	swait.ge [sflag:s28], $0x4000  }
0x193: {  	[sflag:s28] =	ssyncset.done $0x0  }
0x194: {  	s30 =	rddreg [dreg:$0x12];
	[sflag:s28] =	ssyncadd.s32 $0xFFFFC000  }
0x195: {  	[spmem:s2] =	stream.indirect.scatter.add.f32 [tilespmem:s20], [sflag:$0xC], $0x80, s30, s7, $0xb8;
	[tilespmem:$0x1D000] =	vst v63  }
0x196: {  	_ =	swait.ge [sflag:s18], $0x4000  }
0x197: {  	[sflag:s18] =	ssyncset.done $0x0  }
0x198: {  	s31 =	rddreg [dreg:$0x13];
	[sflag:s18] =	ssyncadd.s32 $0xFFFFC000  }
0x199: {  	[tilespmem:s8], [sflag:$0x4] =	stream.indirect.gather [hbm4b:s6+s7], $0x80, s31, s7, $0xb8;
	[tilespmem:$0x1D000] =	vst v63  }
0x19a: {  	_ =	swait.ge [sflag:s15], $0x4000  }
0x19b: {  	[sflag:s15] =	ssyncset.done $0x0  }
0x19c: {  	s1 =	rddreg [dreg:$0x14];
	[sflag:s15] =	ssyncadd.s32 $0xFFFFC000  }
0x19d: {  	[spmem:s2] =	stream.indirect.scatter.add.f32 [tilespmem:s11], [sflag:$0x7], $0x80, s1, s7, $0xb8;
	[tilespmem:$0x1D000] =	vst v63  }
0x19e: {  	_ =	swait.ge [sflag:s22], $0x4000  }
0x19f: {  	[sflag:s22] =	ssyncset.done $0x0  }
0x1a0: {  	s30 =	rddreg [dreg:$0x15];
	[sflag:s22] =	ssyncadd.s32 $0xFFFFC000  }
0x1a1: {  	[tilespmem:s23], [sflag:$0x5] =	stream.indirect.gather [hbm4b:s6+s7], $0x80, s30, s7, $0xb8;
	[tilespmem:$0x1D000] =	vst v63  }
0x1a2: {  	_ =	swait.ge [sflag:s16], $0x4000  }
0x1a3: {  	[sflag:s16] =	ssyncset.done $0x0  }
0x1a4: {  	s31 =	rddreg [dreg:$0x16];
	[sflag:s16] =	ssyncadd.s32 $0xFFFFC000  }
0x1a5: {  	[spmem:s2] =	stream.indirect.scatter.add.f32 [tilespmem:s10], [sflag:$0x8], $0x80, s31, s7, $0xb8;
	[tilespmem:$0x1D000] =	vst v63  }
0x1a6: {  	_ =	swait.ge [sflag:s21], $0x4000  }
0x1a7: {  	[sflag:s21] =	ssyncset.done $0x0  }
0x1a8: {  	s1 =	rddreg [dreg:$0x17];
	[sflag:s21] =	ssyncadd.s32 $0xFFFFC000  }
0x1a9: {  	[tilespmem:s20], [sflag:$0x6] =	stream.indirect.gather [hbm4b:s6+s7], $0x80, s1, s7, $0xb8;
	[tilespmem:$0x1D000] =	vst v63  }
0x1aa: {  	_ =	swait.ge [sflag:s17], $0x4000  }
0x1ab: {  	[sflag:s17] =	ssyncset.done $0x0  }
0x1ac: {  	s30 =	rddreg [dreg:$0x18];
	[sflag:s17] =	ssyncadd.s32 $0xFFFFC000  }
0x1ad: {  	[spmem:s2] =	stream.indirect.scatter.add.f32 [tilespmem:s9], [sflag:$0x9], $0x80, s30, s7, $0xb8;
	[tilespmem:$0x1D000] =	vst v63  }
0x1ae: {  	_ =	swait.ge [sflag:s12], $0x4000  }
0x1af: {  	[sflag:s12] =	ssyncset.done $0x0  }
0x1b0: {  	s31 =	rddreg [dreg:$0x19];
	[sflag:s12] =	ssyncadd.s32 $0xFFFFC000  }
0x1b1: {  	[tilespmem:s11], [sflag:$0x1] =	stream.indirect.gather [hbm4b:s6+s7], $0x80, s31, s7, $0xb8;
	[tilespmem:$0x1D000] =	vst v63  }
0x1b2: {  	_ =	swait.ge [sflag:s19], $0x4000  }
0x1b3: {  	[sflag:s19] =	ssyncset.done $0x0  }
0x1b4: {  	s1 =	rddreg [dreg:$0x1a];
	[sflag:s19] =	ssyncadd.s32 $0xFFFFC000  }
0x1b5: {  	[spmem:s2] =	stream.indirect.scatter.add.f32 [tilespmem:s8], [sflag:$0xA], $0x80, s1, s7, $0xb8;
	[tilespmem:$0x1D000] =	vst v63  }
0x1b6: {  	_ =	swait.ge [sflag:s13], $0x4000  }
0x1b7: {  	[sflag:s13] =	ssyncset.done $0x0  }
0x1b8: {  	s30 =	rddreg [dreg:$0x1b];
	[sflag:s13] =	ssyncadd.s32 $0xFFFFC000  }
0x1b9: {  	[tilespmem:s10], [sflag:$0x2] =	stream.indirect.gather [hbm4b:s6+s7], $0x80, s30, s7, $0xb8;
	[tilespmem:$0x1D000] =	vst v63  }
0x1ba: {  	_ =	swait.ge [sflag:s29], $0x4000  }
0x1bb: {  	[sflag:s29] =	ssyncset.done $0x0  }
0x1bc: {  	s31 =	rddreg [dreg:$0x1c];
	[sflag:s29] =	ssyncadd.s32 $0xFFFFC000  }
0x1bd: {  	[spmem:s2] =	stream.indirect.scatter.add.f32 [tilespmem:s23], [sflag:$0xB], $0x80, s31, s7, $0xb8;
	[tilespmem:$0x1D000] =	vst v63  }
0x1be: {  	_ =	swait.ge [sflag:s14], $0x4000  }
0x1bf: {  	[sflag:s14] =	ssyncset.done $0x0  }
0x1c0: {  	s1 =	rddreg [dreg:$0x1d];
	[sflag:s14] =	ssyncadd.s32 $0xFFFFC000  }
0x1c1: {  	[tilespmem:s9], [sflag:$0x3] =	stream.indirect.gather [hbm4b:s6+s7], $0x80, s1, s7, $0xb8;
	[tilespmem:$0x1D000] =	vst v63  }
0x1c2: {  	_ =	swait.ge [sflag:s28], $0x4000  }
0x1c3: {  	[sflag:s28] =	ssyncset.done $0x0  }
0x1c4: {  	s23 =	rddreg [dreg:$0x1e];
	[sflag:s28] =	ssyncadd.s32 $0xFFFFC000  }
0x1c5: {  	[spmem:s2] =	stream.indirect.scatter.add.f32 [tilespmem:s20], [sflag:$0xC], $0x80, s23, s7, $0xb8;
	[tilespmem:$0x1D000] =	vst v63  }
0x1c6: {  	_ =	swait.ge [sflag:s18], $0x4000  }
0x1c7: {  	[sflag:s18] =	ssyncset.done $0x0  }
0x1c8: {  	s28 =	rddreg [dreg:$0x1f];
	[sflag:s18] =	ssyncadd.s32 $0xFFFFC000  }
0x1c9: {  	[tilespmem:s8], [sflag:$0x4] =	stream.indirect.gather [hbm4b:s6+s7], $0x80, s28, s7, $0xb8;
	[tilespmem:$0x1D000] =	vst v63  }
0x1ca: {  	_ =	swait.ge [sflag:s15], $0x4000  }
0x1cb: {  	s29 =	sld [smem:$0x7FD]  }
0x1cc: {  	[sflag:s15] =	ssyncset.done $0x0  }
0x1cd: {  	[sflag:s15] =	ssyncadd.s32 $0xFFFFC000  }
0x1ce: {  	[spmem:s2] =	stream.indirect.scatter.add.f32 [tilespmem:s11], [sflag:$0x7], $0x80, s29, s7, $0xb8;
	[tilespmem:$0x1D000] =	vst v63  }
0x1cf: {  	_ =	swait.ge [sflag:s16], $0x4000  }
0x1d0: {  	[sflag:s16] =	ssyncset.done $0x0  }
0x1d1: {  	[sflag:s16] =	ssyncadd.s32 $0xFFFFC000  }
0x1d2: {  	[spmem:s2] =	stream.indirect.scatter.add.f32 [tilespmem:s10], [sflag:$0x8], $0x80, s25, s7, $0xb8;
	[tilespmem:$0x1D000] =	vst v63  }
0x1d3: {  	_ =	swait.ge [sflag:s17], $0x4000  }
0x1d4: {  	[sflag:s17] =	ssyncset.done $0x0  }
0x1d5: {  	[sflag:s17] =	ssyncadd.s32 $0xFFFFC000  }
0x1d6: {  	[spmem:s2] =	stream.indirect.scatter.add.f32 [tilespmem:s9], [sflag:$0x9], $0x80, s26, s7, $0xb8;
	[tilespmem:$0x1D000] =	vst v63  }
0x1d7: {  	_ =	swait.ge [sflag:s19], $0x4000  }
0x1d8: {  	[sflag:s19] =	ssyncset.done $0x0  }
0x1d9: {  	s30 =	simm.s32 $0xF80;
	[sflag:s19] =	ssyncadd.s32 $0xFFFFC000  }
0x1da: {  	[spmem:s2] =	stream.indirect.scatter.add.f32 [tilespmem:s8], [sflag:$0xA], $0x80, s30, s7, $0xb8;
	[tilespmem:$0x1D000] =	vst v63  }
0x1db: {  	_ =	swait.ge [sflag:s22], $0x4000  }
0x1dc: {  	[sflag:s22] =	ssyncset.done $0x0  }
0x1dd: {  	[sflag:s22] =	ssyncadd.s32 $0xFFFFC000  }
0x1de: {  	_ =	swait.ge [sflag:s21], $0x4000  }
0x1df: {  	[sflag:s21] =	ssyncset.done $0x0  }
0x1e0: {  	[sflag:s21] =	ssyncadd.s32 $0xFFFFC000  }
0x1e1: {  	_ =	swait.ge [sflag:s12], $0x4000  }
0x1e2: {  	[sflag:s12] =	ssyncset.done $0x0  }
0x1e3: {  	[sflag:s12] =	ssyncadd.s32 $0xFFFFC000  }
0x1e4: {  	_ =	swait.ge [sflag:s13], $0x4000  }
0x1e5: {  	[sflag:s13] =	ssyncset.done $0x0  }
0x1e6: {  	[sflag:s13] =	ssyncadd.s32 $0xFFFFC000  }
0x1e7: {  	_ =	swait.ge [sflag:s14], $0x4000  }
0x1e8: {  	[sflag:s14] =	ssyncset.done $0x0  }
0x1e9: {  	[sflag:s14] =	ssyncadd.s32 $0xFFFFC000  }
0x1ea: {  	_ =	swait.ge [sflag:s18], $0x4000  }
0x1eb: {  	[sflag:s18] =	ssyncset.done $0x0  }
0x1ec: {  	[sflag:s18] =	ssyncadd.s32 $0xFFFFC000  }
0x1ed: {  	[bflag:$0x0] =	sbarrier.arrive $0xFFFF  }
0x1ee: {  	s31 =	rddreg [dreg:$0x6]  }
0x1ef: {  	[hbm:s31], [sflag:s4] =	dma.local [spmem:s5], $0x800  }
0x1f0: {  	_ =	swait.ge [sflag:s3], $0x800  }
0x1f1: {  	[sflag:s3] =	ssyncset.done $0x0  }
0x1f2: {  	[sflag:s3] =	ssyncadd.s32 $0xFFFFF800  }
0x1f3: {  	_ =	sfence.sel $0x180000  }
0x1f4: {  	[bflag:$0x0] =	sbarrier.arrive $0xFFFF  }
0x1f5: {  	_ =	strace $0x9000004A  }
0x1f6: {  	[bflag:$0x2] =	sbarrier.arrive $0xFFFF  }
0x1f7: {  	p0 =	sne.s32 s24, $0x0;
	s0 =	rddreg [dreg:$0x2]  }
0x1f8: {  	s0 =	sadd.s32 @!p0 $0x100000, s0  }
0x1f9: {  	[sflag:s0] =	ssyncadd.tile.s32 @!p0 $0x1;
	_ =	shalt  }
.LBB2_1:
.Ltmp3:
0x1fa: {  	(pc) =	sbr.rel .LBB2_6-.Ltmp3, $2  }
0x1fb: {  	_ =	sdelay $0x2  }
0x1fc: {  	s25 =	simm.s32 $0xE80;
	s26 =	simm.s32 $0xF00  }
.LBB2_3:
.Ltmp4:
0x1fd: {  	(pc) =	sbr.rel .LBB2_6-.Ltmp4, $2  }
0x1fe: {  	_ =	sdelay $0x2  }
0x1ff: {  	s25 =	simm.s32 $0xE80;
	s26 =	simm.s32 $0xF00;
	s24 =	stileid.u32  }
.Lfunc_end2:
_tile_overlayer_lowered:
.L_overlay_start_2:
0x200: {  	(tag) =	ssettag $0x2  }
0x201: {  	s0 =	rddreg [dreg:$0x0];
	s2 =	stileid.u32  }
0x202: {  	s1 =	rddreg [dreg:$0x1];
	p0 =	sne.s32 s2, $0x0  }
0x203: {  	s3 =	rddreg [dreg:$0x2];
	[bflag:$0x3] =	sbarrier.arrive $0xFFFF;
	s2 =	simm.s32 @!p0 $0x1C0D  }
0x204: {  	[timem:s3], [sflag:s2] =	dma.local @!p0 [hbm:s0], s1  }
0x205: {  	s0 =	simm.s32 @!p0 $0xD  }
0x206: {  	_ =	swait.ge @!p0 [sflag:s0], s1  }
0x207: {  	s1 =	ssub.s32 @!p0 $0x0, s1;
	[sflag:s0] =	ssyncset.done @!p0 $0x0  }
0x208: {  	[sflag:s0] =	ssyncadd.s32 @!p0 s1  }
0x209: {  	[bflag:$0x3] =	sbarrier.arrive $0xFFFF  }
0x20a: {  	_ =	shalt  }

// kernel: kernel.7.cloned.1.call-start
scs
__scs_entry_jumppad:
0x0: {  	(pc) =	sbr.rel $0x88, $3  }
0x1: {  	(tag) =	ssettag $0x0;
	lr =	simm.s32 $0x1  }
0x2: {  	[smem:$0x3F99] =	sst lr;
	_ =	strace $0xD0000000  }
0x3: {  	_ = 	snop  }
0x4: {  	_ = 	snop  }
0x5: {  	_ = 	snop  }
0x6: {  	_ = 	snop  }
0x7: {  	_ = 	snop  }
__scs_overlays_trampoline_lowered:
0x8: {  	[smem:$0x3FA8] =	sst s0  }
0x9: {  	[smem:$0x3FA9] =	sst s1  }
0xa: {  	[smem:$0x3FAA] =	sst s2  }
0xb: {  	[smem:$0x3FAB] =	sst s3  }
0xc: {  	[smem:$0x3FAC] =	sst s4  }
0xd: {  	[smem:$0x3FAD] =	sst s5  }
0xe: {  	[smem:$0x3FAE] =	sst s6  }
0xf: {  	[smem:$0x3FAF] =	sst s7  }
0x10: {  	[smem:$0x3FB0] =	sst s8  }
0x11: {  	[smem:$0x3FB1] =	sst s9;
	s0 =	simm.s32 @!p0 $0x0  }
0x12: {  	s1 =	sld [smem:$0x3F97];
	s0 =	simm.s32 @p0 $0x1  }
0x13: {  	[smem:$0x3FB2] =	sst s0;
	s0 =	simm.s32 @!p1 $0x0  }
0x14: {  	s2 =	sld [smem:$0x3F96];
	s0 =	simm.s32 @p1 $0x1  }
0x15: {  	[smem:$0x3FB3] =	sst s0;
	s0 =	simm.s32 @!p2 $0x0  }
0x16: {  	s3 =	sld [smem:$0x3FDB];
	s0 =	simm.s32 @p2 $0x1  }
0x17: {  	s4 =	simm.s32 $0x1BF5;
	[smem:$0x3FB5] =	sst s0  }
0x18: {  	s0 =	sld [smem:$0x3F98];
	_ =	swait.ge [sflag:s4], $0x0  }
0x19: {  	s7 =	sld [smem:$0x3F99]  }
0x1a: {  	s8 =	sadd.s32 $0xFFFFE003, lr  }
0x1b: {  	s9 =	sadd.s32 $0xFFFFFEF7, lr;
	s5 =	simm.s32 $0xFFFFFFFF;
	p2 =	slt.u32 s8, $0xFFFFF086  }
0x1c: {  	p1 =	slt.u32 s9, $0xF7A;
	s5 =	simm.s32 @!p2 $0x0  }
0x1d: {  	s5 =	simm.s32 @p1 $0x1;
	p0 =	seq.s32 s7, s2  }
0x1e: {  	s7 =	smul.u32 @!p0 $0xF7A, s2;
	p2 =	seq.s32 @!p0 s5, $0x0  }
0x1f: {  	s9 =	smul.u32 $0xF7A, s1;
	s8 =	simm.s32 @!p0 $0x1BF5;
	p2 =	por !p2, p0  }
0x20: {  	[sflag:s8] =	ssyncset.s32 @!p0 $0xFFFFF086;
	s6 =	sadd.s32 @!p0 s3, s7;
	s7 =	simm.s32 @!p0 $0x108  }
0x21: {  	s3 =	sadd.s32 s3, s9;
	s6 =	sadd.s32 @!p0 $0x88, s6;
	s7 =	simm.s32 @p2 $0x1082  }
0x22: {  	[simem:s7], [sflag:s8] =	dma.local @!p0 [hbm:s6], $0xF7A  }
0x23: {  	s9 =	sor.u32 $0xD0000000, s2;
	s6 =	simm.s32 $0x108;
	_ =	swait.ge @!p0 [sflag:s8], $0x0  }
0x24: {  	s3 =	sadd.s32 $0x88, s3;
	s6 =	simm.s32 @!p1 $0x1082;
	[sflag:s4] =	ssyncset.s32 $0xFFFFF086  }
0x25: {  	[simem:s6], [sflag:s4] =	dma.local [hbm:s3], $0xF7A  }
0x26: {  	[smem:$0x3F99] =	sst s1;
	(tag) =	ssettag s2;
	_ =	strace s9  }
0x27: {  	s1 =	sld [smem:$0x3FA9]  }
0x28: {  	s2 =	sld [smem:$0x3FAA]  }
0x29: {  	s4 =	sld [smem:$0x3FAC]  }
0x2a: {  	p0 =	seq.s32 s5, $0x0;
	s5 =	sld [smem:$0x3FAD]  }
0x2b: {  	s6 =	sld [smem:$0x3FAE]  }
0x2c: {  	s7 =	sld [smem:$0x3FAF]  }
0x2d: {  	s3 =	simm.s32 $0x108;
	s8 =	sld [smem:$0x3FB0]  }
0x2e: {  	s3 =	simm.s32 @!p0 $0x1082;
	s9 =	sld [smem:$0x3FB1]  }
0x2f: {  	lr =	sadd.s32 s0, s3;
	s0 =	sld [smem:$0x3FA8]  }
0x30: {  	s3 =	sld [smem:$0x3FAB]  }
0x31: {  	[smem:$0x3FB4] =	sst s10  }
0x32: {  	s10 =	sld [smem:$0x3FB2];
	_ =	sdelay $0x3  }
0x33: {  	p0 =	seq.s32 s10, $0x1;
	s10 =	sld [smem:$0x3FB4];
	_ =	sdelay $0x3  }
0x34: {  	[smem:$0x3FB4] =	sst s10  }
0x35: {  	s10 =	sld [smem:$0x3FB3];
	_ =	sdelay $0x3  }
0x36: {  	p1 =	seq.s32 s10, $0x1;
	s10 =	sld [smem:$0x3FB4];
	_ =	sdelay $0x3  }
0x37: {  	[smem:$0x3FB4] =	sst s10  }
0x38: {  	s10 =	sld [smem:$0x3FB5]  }
0x39: {  	_ = 	snop;
	(pc) =	sbr.ind lr, $3  }
0x3a: {  	_ = 	snop  }
0x3b: {  	_ = 	snop  }
0x3c: {  	p2 =	seq.s32 s10, $0x1;
	s10 =	sld [smem:$0x3FB4]  }
0x3d: {  	_ =	shalt  }
0x3e: {  	_ =	shalt  }
0x3f: {  	_ =	shalt  }
0x40: {  	_ =	shalt  }
0x41: {  	_ =	shalt  }
0x42: {  	_ =	shalt  }
0x43: {  	_ =	shalt  }
0x44: {  	_ =	shalt  }
0x45: {  	_ =	shalt  }
0x46: {  	_ =	shalt  }
0x47: {  	_ =	shalt  }
0x48: {  	_ =	shalt  }
0x49: {  	_ =	shalt  }
0x4a: {  	_ =	shalt  }
0x4b: {  	_ =	shalt  }
0x4c: {  	_ =	shalt  }
0x4d: {  	_ =	shalt  }
0x4e: {  	_ =	shalt  }
0x4f: {  	_ =	shalt  }
0x50: {  	_ =	shalt  }
0x51: {  	_ =	shalt  }
0x52: {  	_ =	shalt  }
0x53: {  	_ =	shalt  }
0x54: {  	_ =	shalt  }
0x55: {  	_ =	shalt  }
0x56: {  	_ =	shalt  }
0x57: {  	_ =	shalt  }
0x58: {  	_ =	shalt  }
0x59: {  	_ =	shalt  }
0x5a: {  	_ =	shalt  }
0x5b: {  	_ =	shalt  }
0x5c: {  	_ =	shalt  }
0x5d: {  	_ =	shalt  }
0x5e: {  	_ =	shalt  }
0x5f: {  	_ =	shalt  }
0x60: {  	_ =	shalt  }
0x61: {  	_ =	shalt  }
0x62: {  	_ =	shalt  }
0x63: {  	_ =	shalt  }
0x64: {  	_ =	shalt  }
0x65: {  	_ =	shalt  }
0x66: {  	_ =	shalt  }
0x67: {  	_ =	shalt  }
0x68: {  	_ =	shalt  }
0x69: {  	_ =	shalt  }
0x6a: {  	_ =	shalt  }
0x6b: {  	_ =	shalt  }
0x6c: {  	_ =	shalt  }
0x6d: {  	_ =	shalt  }
0x6e: {  	_ =	shalt  }
0x6f: {  	_ =	shalt  }
0x70: {  	_ =	shalt  }
0x71: {  	_ =	shalt  }
0x72: {  	_ =	shalt  }
0x73: {  	_ =	shalt  }
0x74: {  	_ =	shalt  }
0x75: {  	_ =	shalt  }
0x76: {  	_ =	shalt  }
0x77: {  	_ =	shalt  }
0x78: {  	_ =	shalt  }
0x79: {  	_ =	shalt  }
0x7a: {  	_ =	shalt  }
0x7b: {  	_ =	shalt  }
0x7c: {  	_ =	shalt  }
0x7d: {  	_ =	shalt  }
0x7e: {  	_ =	shalt  }
0x7f: {  	_ =	shalt  }
0x80: {  	_ =	shalt  }
0x81: {  	_ =	shalt  }
0x82: {  	_ =	shalt  }
0x83: {  	_ =	shalt  }
0x84: {  	_ =	shalt  }
0x85: {  	_ =	shalt  }
0x86: {  	_ =	shalt  }
0x87: {  	_ =	shalt  }
.Lfunc_end0:
.L_simem_size_0:
called_computation_lowered:
.L_overlay_start_0:
0x88: {  	s2 =	sld [smem:$0x3FD9]  }
0x89: {  	s3 =	sld [smem:$0x3FFE];
	_ =	sdelay $0x1  }
0x8a: {  	s1 =	srdreg.scid  }
0x8b: {  	s0 =	sand.u32 $0x1, s1  }
0x8c: {  	s16 =	sshll.u32 s0, $0xA;
	s2 =	sadd.s32 s3, s2  }
0x8d: {  	s2 =	sadd.s32 s2, s16  }
0x8e: {  	[smem:$0x3FC0] =	sst s2  }
0x8f: {  	_ = 	snop  }
0x90: {  	(tm) =	ssettm $0x1  }
0x91: {  	s17 =	sld [smem:$0x3FFB];
	_ =	sdelay $0x3  }
0x92: {  	_ =	strace s17  }
0x93: {  	s2 =	sld [smem:$0x3FFC];
	_ =	sdelay $0x3  }
0x94: {  	_ =	strace s2  }
0x95: {  	s2 =	sld [smem:$0x3FFD];
	_ =	sdelay $0x3  }
0x96: {  	_ =	strace s2  }
0x97: {  	_ =	strace $0x8FFFFFFF  }
0x98: {  	s18 =	sld [smem:$0x3FDB];
	_ =	sdelay $0x1  }
0x99: {  	s19 =	simm.s32 $_scs_section_size  }
0x9a: {  	s4 =	simm.s32 $_size__tile_overlayer_lowered;
	s5 =	simm.s32 $_tile_overlayer_lowered  }
0x9b: {  	s22 =	simm.s32 $0x1BFF;
	s21 =	sshll.u32 s5, $0x1;
	s2 =	sadd.s32 s19, s18  }
0x9c: {  	s6 =	simm.s32 $0x0;
	s20 =	sshll.u32 s4, $0x1;
	s4 =	sadd.s32 s21, s2  }
0x9d: {  	[timem:s6], [sflag:s22] =	dma.local [hbm:s4], s20  }
0x9e: {  	_ =	swait.ge [sflag:s22], s20  }
0x9f: {  	s3 =	ssub.s32 $0x0, s20;
	[sflag:s22] =	ssyncset.done $0x0  }
0xa0: {  	[sflag:s22] =	ssyncadd.s32 s3;
	_ =	sdelay $0x1  }
0xa1: {  	s23 =	simm.s32 $0x1B8B  }
0xa2: {  	_ =	swait.ge [sflag:s23], $0x1  }
0xa3: {  	[sflag:s23] =	ssyncset.done $0x0  }
0xa4: {  	s25 =	simm.s32 $0x1B8E;
	s24 =	sld [smem:$0x3FFE];
	[sflag:s23] =	ssyncadd.s32 $0xFFFFFFFF  }
0xa5: {  	s26 =	simm.s32 $execute0_lowered;
	[smem:$0x3FD2] =	sst s25  }
0xa6: {  	s4 =	sshll.u32 s26, $0x1;
	_ =	strace $0x80000046;
	[dreg:$0x1] =	wrdreg $0xFFFFFFFF  }
0xa7: {  	s28 =	simm.s32 $_size_execute0_lowered;
	s2 =	sadd.s32 s2, s4;
	[dreg:$0x0] =	wrdreg $0x0  }
0xa8: {  	s4 =	sshll.u32 s28, $0x1;
	[dreg:$0x2] =	wrdreg s2  }
0xa9: {  	[dreg:$0x3] =	wrdreg s4  }
0xaa: {  	[dreg:$0x4] =	wrdreg $0xC0  }
0xab: {  	_ =	task [dreg:s6], $0x5FFFF  }
0xac: {  	[dreg:$0x1] =	wrdreg $0xFFFFFFFF  }
0xad: {  	[dreg:$0x0] =	wrdreg $0x60  }
0xae: {  	[dreg:$0x2] =	wrdreg s24  }
0xaf: {  	[dreg:$0x3] =	wrdreg $0x9  }
0xb0: {  	_ =	task.clear_ibuf [dreg:s6], $0x4FFFF;
	_ =	strace $0x90000046  }
0xb1: {  	s29 =	simm.s32 $0x9;
	_ =	strace $0x80000048  }
0xb2: {  	_ =	swait.ge [sflag:s29], $0x1  }
0xb3: {  	[sflag:s29] =	ssyncadd.s32 $0xFFFFFFFF  }
0xb4: {  	_ =	strace $0x90000048  }
0xb5: {  	_ =	sfence  }
0xb6: {  	s30 =	sld [smem:$0x0];
	_ =	sdelay $0x2  }
0xb7: {  	s31 =	sshll.u32 s1, $0xD;
	s1 =	sshrl.u32 s1, $0x2  }
0xb8: {  	s3 =	sand.u32 $0x4000, s31;
	s1 =	sadd.s32 s1, s30  }
0xb9: {  	s0 =	sor.u32 s3, s0;
	s1 =	sshll.u32 s1, $0x11  }
0xba: {  	s0 =	sor.u32 s1, s0  }
0xbb: {  	s0 =	sadd.s32 $0x8F2B, s0  }
0xbc: {  	[sflag:s0] =	ssyncadd.remote.s32 $0x1  }
0xbd: {  	_ =	sfence.sel $0xFFFF  }
0xbe: {  	[dreg:$0x0] =	wrdreg $0xFFFFFFFF;
	(pc) =	sbr.abs _section_cstart, $3  }
0xbf: {  	[dreg:$0x1] =	wrdreg $0xFFFFFFFF  }
0xc0: {  	_ =	task.clear_ibuf [dreg:s6], $0x2FFFF;
	_ =	strace $0x9FFFFFFF  }
0xc1: {  	(tm) =	ssettm $0x7FFFFFFF  }
tec
execute0_lowered:
.L_overlay_start_1:
0x0: {  	(tag) =	ssettag $0x1  }
0x1: {  	s3 =	rddreg [dreg:$0x0]  }
0x2: {  	s0 =	rddreg [dreg:$0x1];
	s2 =	simm.s32 $0x0;
	s4 =	srdreg.scid  }
0x3: {  	s1 =	stileid.u32;
	s8 =	simm.s32 $0x80;
	s9 =	simm.s32 $0x400  }
0x4: {  	s10 =	simm.s32 $0x0;
	[smem:$0x7FF] =	sst s2;
	s4 =	sand.u32 $0x1, s4  }
0x5: {  	s6 =	sshll.u32 s1, $0x8;
	s7 =	sshll.u32 s1, $0x4;
	s5 =	sshll.u32 s4, $0xC  }
0x6: {  	_ =	strace $0x80000047;
	s29 =	sand.u32 $0x70, s7;
	s4 =	ssub.s32 $0x2, s4  }
0x7: {  	s7 =	simm.s32 $0x800;
	s5 =	sor.u32 s6, s5;
	s6 =	sadd.s32 s29, s3  }
0x8: {  	s31 =	sshrl.u32 s4, $0x1;
	s30 =	sand.u32 $0x1800, s5;
	s3 =	sadd.s32 s5, s3  }
0x9: {  	s5 =	ssub.s32 s4, s31;
	s6 =	sadd.s32 s30, s6;
	s3 =	sadd.s32 $0x1E00, s3  }
0xa: {  	v0 =	vimm.f32 $0.0e+00;
	v1 =	vimm.f32 $1.000000000e+00;
	s5 =	smax.u32 s5, $0x1;
	s4 =	sadd.s32 $0x5E00, s6;
	s6 =	simm.s32 $0x1  }
.LBB2_1:
0xb: {  	[tilespmem:s2], [sflag:$0x1] =	stream.linear.gather [hbm4b:s3+s2], $0x800, $0x38;
	[tilespmem:$0x1000] =	vst v63  }
0xc: {  	_ =	swait.ge [sflag:s6], $0x800  }
0xd: {  	[sflag:s6] =	ssyncset.done $0x0  }
0xe: {  	s11 =	simm.s32 $0x0;
	[sflag:s6] =	ssyncadd.s32 $0xFFFFF800  }
.LBB2_2:
0xf: {  	p0 =	sne.s32 s11, $0x1FC0  }
.Ltmp0:
0x10: {  	_ = 	snop;
	(pc) =	sbr.rel @p0 .LBB2_2-.Ltmp0, $3  }
0x11: {  	_ =	sdelay $0x1  }
0x12: {  	s12 =	sshra.s32 s11, $0x2  }
0x13: {  	s11 =	sadd.s32 $0x40, s11;
	[tilespmem:s12+$0x800] =	vst v0  }
0x14: {  	s12 =	simm.s32 $0x0;
	s11 =	simm.s32 $0x40  }
.LBB2_4:
0x15: {  	p0 =	sne.s32 s11, $0x1FC0;
	v2 =	vld [tilespmem:s12+$0x0];
	_ =	sdelay $0x3  }
.Ltmp1:
0x16: {  	(pc) =	sbr.rel @p0 .LBB2_4-.Ltmp1, $2  }
0x17: {  	_ =	sdelay $0x2  }
0x18: {  	s12 =	sshra.s32 s11, $0x2;
	s11 =	sadd.s32 $0x40, s11;
	[tilespmem:v2+s7+$0x0] =	vst.idx.add.f32.msk $0xffff, v1  }
0x19: {  	v2 =	vld [tilespmem:s12+$0x0];
	_ =	sdelay $0x5  }
0x1a: {  	s10 =	sadd.s32 $0x1, s10  }
0x1b: {  	p0 =	sne.s32 s10, s5  }
.Ltmp2:
0x1c: {  	[tilespmem:v2+s7+$0x0] =	vst.idx.add.f32.msk $0xffff, v1;
	(pc) =	sbr.rel @p0 .LBB2_1-.Ltmp2, $4  }
0x1d: {  	[hbm4b:s4+s8] =	stream.strided.scatter [tilespmem:s7], [sflag:$0x1], $0x800, s9, s8, $0x38;
	[tilespmem:$0x1000] =	vst v63  }
0x1e: {  	_ =	swait.ge [sflag:s6], $0x800  }
0x1f: {  	[sflag:s6] =	ssyncset.done $0x0  }
0x20: {  	[sflag:s6] =	ssyncadd.s32 $0xFFFFF800  }
0x21: {  	_ =	sfence.sel $0x180000  }
0x22: {  	[bflag:$0x0] =	sbarrier.arrive $0xFFFF  }
0x23: {  	p0 =	sne.s32 s1, $0x0;
	_ =	strace $0x90000047  }
0x24: {  	s0 =	sadd.s32 @!p0 $0x100000, s0;
	[bflag:$0x2] =	sbarrier.arrive $0xFFFF  }
0x25: {  	[sflag:s0] =	ssyncadd.tile.s32 @!p0 $0x1;
	_ =	shalt  }
.Lfunc_end2:
_tile_overlayer_lowered:
.L_overlay_start_2:
0x26: {  	(tag) =	ssettag $0x2  }
0x27: {  	s0 =	rddreg [dreg:$0x0];
	s2 =	stileid.u32  }
0x28: {  	s1 =	rddreg [dreg:$0x1];
	p0 =	sne.s32 s2, $0x0  }
0x29: {  	s3 =	rddreg [dreg:$0x2];
	[bflag:$0x3] =	sbarrier.arrive $0xFFFF;
	s2 =	simm.s32 @!p0 $0x1C01  }
0x2a: {  	[timem:s3], [sflag:s2] =	dma.local @!p0 [hbm:s0], s1  }
0x2b: {  	s0 =	simm.s32 @!p0 $0x1  }
0x2c: {  	_ =	swait.ge @!p0 [sflag:s0], s1  }
0x2d: {  	s1 =	ssub.s32 @!p0 $0x0, s1;
	[sflag:s0] =	ssyncset.done @!p0 $0x0  }
0x2e: {  	[sflag:s0] =	ssyncadd.s32 @!p0 s1  }
0x2f: {  	[bflag:$0x3] =	sbarrier.arrive $0xFFFF  }
0x30: {  	_ =	shalt  }

</sc_bundles>
